<compile_context>
chip_gen: v7x
topology: tpu7x:2x2x1
jax: 0.10.2.dev20260603
libtpu: 0.0.44.dev20260713+nightly
codegen_flags: <defaults>
</compile_context>

<pallas_src>
import functools

import jax
import jax.numpy as jnp
import numpy as np
from jax import lax
from jax.experimental import pallas as pl
from jax.experimental.pallas import tpu as pltpu
from jax.experimental.pallas import tpu_sc as plsc

SIG = 2048
BATCH = 8192
NC = 2
NS = 16
L = 16
NW = NC * NS
ROWS_PER_W = BATCH // NW
CHUNK = 4
NBUF = 2
NCHUNK = ROWS_PER_W // CHUNK
NVEC = SIG // L

MAGIC = np.float32(12582912.0)

_mesh = plsc.VectorSubcoreMesh(core_axis_name="c", subcore_axis_name="s")


@functools.partial(
    pl.kernel,
    out_type=jax.ShapeDtypeStruct((BATCH, SIG), jnp.float32),
    mesh=_mesh,
    compiler_params=pltpu.CompilerParams(needs_layout_passes=False),
    scratch_types=[
        pltpu.VMEM((NBUF * CHUNK, SIG), jnp.float32),
        pltpu.VMEM((NBUF * CHUNK, SIG), jnp.float32),
        pltpu.VMEM((ROWS_PER_W * 5,), jnp.float32),
        pltpu.VMEM((SIG,), jnp.float32),
        pltpu.VMEM((SIG,), jnp.float32),
        pltpu.VMEM((SIG,), jnp.float32),
        pltpu.VMEM((SIG,), jnp.float32),
        pltpu.VMEM((SIG,), jnp.int32),
        pltpu.SemaphoreType.DMA,
        pltpu.SemaphoreType.DMA,
        pltpu.SemaphoreType.DMA,
        pltpu.SemaphoreType.DMA,
    ],
)
def _interp(x_hbm, p_hbm, out_hbm, xbuf, obuf, pbuf, tb1, tb2, tb3, tb4,
            toff, isem0, isem1, osem0, osem1):
    isem = [isem0, isem1]
    osem = [osem0, osem1]
    wid = lax.axis_index("s") * NC + lax.axis_index("c")
    base = wid * ROWS_PER_W
    pltpu.sync_copy(p_hbm.at[pl.ds(base * 5, ROWS_PER_W * 5)], pbuf)

    iota_f = lax.iota(jnp.int32, L).astype(jnp.float32)

    iota_i = lax.iota(jnp.int32, L)

    @pl.loop(0, NVEC)
    def _tab(j):
        tf = iota_f + (j * L).astype(jnp.float32)
        t2 = tf * tf
        tb1[pl.ds(j * L, L)] = tf
        tb2[pl.ds(j * L, L)] = t2
        tb3[pl.ds(j * L, L)] = t2 * tf
        tb4[pl.ds(j * L, L)] = t2 * t2
        toff[pl.ds(j * L, L)] = iota_i + (j * L + 0x400000)

    for b in range(NBUF):
        pltpu.async_copy(
            x_hbm.at[pl.ds(base + b * CHUNK, CHUNK)],
            xbuf.at[pl.ds(b * CHUNK, CHUNK)], isem[b])

    @pl.loop(0, NCHUNK, step=NBUF)
    def _outer(g):
        for b in range(NBUF):
            c = g + b
            row0 = base + c * CHUNK
            pltpu.make_async_copy(
                x_hbm.at[pl.ds(row0, CHUNK)],
                xbuf.at[pl.ds(b * CHUNK, CHUNK)], isem[b]).wait()

            @pl.when(c >= NBUF)
            def _():
                pltpu.make_async_copy(
                    obuf.at[pl.ds(b * CHUNK, CHUNK)],
                    out_hbm.at[pl.ds(row0 - NBUF * CHUNK, CHUNK)],
                    osem[b]).wait()

            coeffs = []
            for r in range(CHUNK):
                pr = jnp.broadcast_to((c * CHUNK + r) * 5, (L,))
                coeffs.append(tuple(
                    plsc.load_gather(pbuf, [pr + i]) for i in range(5)))

            @plsc.parallel_loop(0, NVEC, unroll=1)
            def _vec(j):
                sl = pl.ds(j * L, L)
                tf = tb1[sl]
                t2 = tb2[sl]
                t3 = tb3[sl]
                t4 = tb4[sl]
                to = toff[sl]
                for r, (p0, p1, p2, p3, p4) in enumerate(coeffs):
                    row_idx = jnp.full((L,), b * CHUNK + r, jnp.int32)
                    cv = p0 * t4 + p1 * t3 + p2 * t2 + p3 * tf + p4
                    cvp = cv + MAGIC
                    ci = cvp - MAGIC
                    k = cv - ci
                    bits = lax.bitcast_convert_type(cvp, jnp.int32)
                    pos = jnp.minimum(
                        jnp.maximum(to - (bits & 0x7FFFFF), 1), 2047)
                    x1 = plsc.load_gather(xbuf, [row_idx, pos])
                    x2 = plsc.load_gather(xbuf, [row_idx, pos - 1])
                    obuf[b * CHUNK + r, sl] = x1 + k * (x2 - x1)

            pltpu.async_copy(
                obuf.at[pl.ds(b * CHUNK, CHUNK)],
                out_hbm.at[pl.ds(row0, CHUNK)], osem[b])

            @pl.when(c + NBUF < NCHUNK)
            def _():
                pltpu.async_copy(
                    x_hbm.at[pl.ds(row0 + NBUF * CHUNK, CHUNK)],
                    xbuf.at[pl.ds(b * CHUNK, CHUNK)], isem[b])

    for b in range(NBUF):
        pltpu.make_async_copy(
            obuf.at[pl.ds(b * CHUNK, CHUNK)],
            out_hbm.at[pl.ds(base + b * CHUNK, CHUNK)], osem[b]).wait()


def kernel(x, params):
    scaler = jnp.array([1.0e12, 1.0e8, 1.0e4, 1.0, 10.0], dtype=jnp.float32)
    return _interp(x, (params / scaler).reshape(-1))

# --- scband reference (transcript-rebuilt; emitter-appended) ---
"""Pipeline reference for scband-parametric-interpolation-5961414606876 (READ-ONLY COPY).

The authoritative reference and input builder live on the scoring server;
editing this copy changes nothing except your own understanding.
"""

import jax, jax.numpy as jnp
import numpy as np

SIG_LEN = 2048
BATCH = 8192


def setup_inputs(seed: int = 0) -> dict:
    key = jax.random.key(seed)
    k1, k2 = jax.random.split(key)
    x = jax.random.normal(k1, (BATCH, SIG_LEN), dtype=jnp.float32)
    params = jax.random.normal(k2, (BATCH, 5), dtype=jnp.float32)
    return {"x": x, "params": params}


def reference(x, params):
    scaler = jnp.array([1.0e12, 1.0e8, 1.0e4, 1.0, 10.0], dtype=jnp.float32)
    sig_idx = jnp.arange(SIG_LEN, dtype=jnp.float32)

    def per_batch(xi, pi):
        p = pi / scaler
        curve_val = (p[0] * sig_idx ** 4 + p[1] * sig_idx ** 3
                     + p[2] * sig_idx ** 2 + p[3] * sig_idx + p[4])
        curve_val_int = jnp.round(curve_val)
        k = curve_val - curve_val_int
        new_pos = jnp.clip(sig_idx - curve_val_int, 1.0, 2047.0).astype(jnp.int32)
        x1 = jnp.take(xi, new_pos, axis=0)
        x2 = jnp.take(xi, new_pos - 1, axis=0)
        return (1.0 - k) * x1 + k * x2

    return jax.vmap(per_batch)(x, params)

if __name__ == "__main__":
    import jax
    _d = setup_inputs()
    print(jax.jit(kernel)(*tuple(_d.values())))

</pallas_src>

<mosaic_0001>
#map = affine_map<(d0, d1) -> (0, 0)>
#map1 = affine_map<(d0, d1) -> (0)>
module attributes {stable_mosaic.version = 14 : i64} {
  func.func @_interp(%arg0: i32, %arg1: i32, %arg2: memref<8192x2048xf32, #tpu.memory_space<hbm>>, %arg3: memref<40960xf32, #tpu.memory_space<hbm>>, %arg4: memref<8192x2048xf32, #tpu.memory_space<hbm>>, %arg5: memref<8x2048xf32, #tpu.memory_space<vmem>>, %arg6: memref<8x2048xf32, #tpu.memory_space<vmem>>, %arg7: memref<1280xf32, #tpu.memory_space<vmem>>, %arg8: memref<2048xf32, #tpu.memory_space<vmem>>, %arg9: memref<2048xf32, #tpu.memory_space<vmem>>, %arg10: memref<2048xf32, #tpu.memory_space<vmem>>, %arg11: memref<2048xf32, #tpu.memory_space<vmem>>, %arg12: memref<2048xi32, #tpu.memory_space<vmem>>, %arg13: memref<!tpu.dma_semaphore, #tpu.memory_space<semaphore_mem>>, %arg14: memref<!tpu.dma_semaphore, #tpu.memory_space<semaphore_mem>>, %arg15: memref<!tpu.dma_semaphore, #tpu.memory_space<semaphore_mem>>, %arg16: memref<!tpu.dma_semaphore, #tpu.memory_space<semaphore_mem>>) attributes {dimension_semantics = [#tpu.dimension_semantics<core_parallel>, #tpu.dimension_semantics<subcore_parallel>], iteration_bounds = array<i64: 2, 16>, scalar_prefetch = 0 : i64, scratch_operands = 12 : i64, tpu.core_type = #tpu.core_type<sc_vector_subcore>, window_params = [{transform_indices = #map}, {transform_indices = #map1}, {transform_indices = #map}]} {
    %mul3A = arith.constant 2 : i32
    %mul3A_0 = arith.muli %arg1, %mul3A : i32
    %add3A = arith.addi %mul3A_0, %arg0 : i32
    %mul3A_1 = arith.constant 256 : i32
    %mul3A_2 = arith.muli %add3A, %mul3A_1 : i32
    %mul3A_3 = arith.constant 5 : i32
    %mul3A_4 = arith.muli %mul3A_2, %mul3A_3 : i32
    "tpu.region"() ({
      %run_scoped3A = tpu.sem_alloc : memref<!tpu.dma_semaphore, #tpu.memory_space<semaphore_mem>>
      %dma_start3A_61 = tpu.memref_slice %arg3[%mul3A_4] : memref<40960xf32, #tpu.memory_space<hbm>> -> memref<1280xf32, #tpu.memory_space<hbm>>
      %dma_start3A_62 = tpu.memref_slice %arg3[%mul3A_4] : memref<40960xf32, #tpu.memory_space<hbm>> -> memref<1280xf32, #tpu.memory_space<hbm>>
      tpu.enqueue_dma source(%dma_start3A_62 : memref<1280xf32, #tpu.memory_space<hbm>>) target(%arg7 : memref<1280xf32, #tpu.memory_space<vmem>>) target_semaphore(%run_scoped3A : memref<!tpu.dma_semaphore, #tpu.memory_space<semaphore_mem>>)
      %dma_wait3A_63 = tpu.memref_slice %arg3[%mul3A_4] : memref<40960xf32, #tpu.memory_space<hbm>> -> memref<1280xf32, #tpu.memory_space<hbm>>
      %dma_wait3A_64 = tpu.memref_slice %arg3[%mul3A_4] : memref<40960xf32, #tpu.memory_space<hbm>> -> memref<1280xf32, #tpu.memory_space<hbm>>
      tpu.wait_dma2 semaphore(%run_scoped3A : memref<!tpu.dma_semaphore, #tpu.memory_space<semaphore_mem>>) src(%dma_wait3A_64 : memref<1280xf32, #tpu.memory_space<hbm>>) dst(%arg7 : memref<1280xf32, #tpu.memory_space<vmem>>)
      tpu.yield
    }) : () -> ()
    %iota3A = tpu.iota {dimensions = array<i32: 0>} : vector<16xi32>
    %convert_element_type3A = arith.sitofp %iota3A : vector<16xi32> to vector<16xf32>
    %iota3A_5 = tpu.iota {dimensions = array<i32: 0>} : vector<16xi32>
    %scan3A = arith.constant 0 : i32
    %scan3A_6 = arith.constant 128 : i32
    %scan3A_7 = arith.addi %scan3A, %scan3A_6 : i32
    %scan3A_8 = arith.constant 1 : i32
    scf.for %scan3A_61 = %scan3A to %scan3A_7 step %scan3A_8  : i32 {
      %mul3A_62 = arith.constant 1 : i32
      %mul3A_63 = arith.muli %scan3A_61, %mul3A_62 : i32
      %add3A_64 = arith.constant 0 : i32
      %add3A_65 = arith.addi %add3A_64, %mul3A_63 : i32
      %mul3A_66 = arith.constant 16 : i32
      %mul3A_67 = arith.muli %add3A_65, %mul3A_66 : i32
      %convert_element_type3A_68 = arith.sitofp %mul3A_67 : i32 to f32
      %add3A_69 = vector.broadcast %convert_element_type3A_68 : f32 to vector<16xf32>
      %add3A_70 = arith.addf %convert_element_type3A, %add3A_69 : vector<16xf32>
      %mul3A_71 = arith.mulf %add3A_70, %add3A_70 : vector<16xf32>
      %mul3A_72 = arith.constant 16 : i32
      %mul3A_73 = arith.muli %add3A_65, %mul3A_72 : i32
      %swap3A = arith.index_cast %mul3A_73 : i32 to index
      %swap3A_74 = tpu.vector_load %arg8[%swap3A] {strides = array<i32>} : memref<2048xf32, #tpu.memory_space<vmem>>, vector<16xf32>,
      tpu.vector_store %arg8[%swap3A], %add3A_70 {strides = array<i32>} : memref<2048xf32, #tpu.memory_space<vmem>>, vector<16xf32>,
      %mul3A_75 = arith.constant 16 : i32
      %mul3A_76 = arith.muli %add3A_65, %mul3A_75 : i32
      %swap3A_77 = arith.index_cast %mul3A_76 : i32 to index
      %swap3A_78 = tpu.vector_load %arg9[%swap3A_77] {strides = array<i32>} : memref<2048xf32, #tpu.memory_space<vmem>>, vector<16xf32>,
      tpu.vector_store %arg9[%swap3A_77], %mul3A_71 {strides = array<i32>} : memref<2048xf32, #tpu.memory_space<vmem>>, vector<16xf32>,
      %mul3A_79 = arith.mulf %mul3A_71, %add3A_70 : vector<16xf32>
      %mul3A_80 = arith.constant 16 : i32
      %mul3A_81 = arith.muli %add3A_65, %mul3A_80 : i32
      %swap3A_82 = arith.index_cast %mul3A_81 : i32 to index
      %swap3A_83 = tpu.vector_load %arg10[%swap3A_82] {strides = array<i32>} : memref<2048xf32, #tpu.memory_space<vmem>>, vector<16xf32>,
      tpu.vector_store %arg10[%swap3A_82], %mul3A_79 {strides = array<i32>} : memref<2048xf32, #tpu.memory_space<vmem>>, vector<16xf32>,
      %mul3A_84 = arith.mulf %mul3A_71, %mul3A_71 : vector<16xf32>
      %mul3A_85 = arith.constant 16 : i32
      %mul3A_86 = arith.muli %add3A_65, %mul3A_85 : i32
      %swap3A_87 = arith.index_cast %mul3A_86 : i32 to index
      %swap3A_88 = tpu.vector_load %arg11[%swap3A_87] {strides = array<i32>} : memref<2048xf32, #tpu.memory_space<vmem>>, vector<16xf32>,
      tpu.vector_store %arg11[%swap3A_87], %mul3A_84 {strides = array<i32>} : memref<2048xf32, #tpu.memory_space<vmem>>, vector<16xf32>,
      %mul3A_89 = arith.constant 16 : i32
      %mul3A_90 = arith.muli %add3A_65, %mul3A_89 : i32
      %add3A_91 = arith.constant 4194304 : i32
      %add3A_92 = arith.addi %mul3A_90, %add3A_91 : i32
      %add3A_93 = vector.broadcast %add3A_92 : i32 to vector<16xi32>
      %add3A_94 = arith.addi %iota3A_5, %add3A_93 : vector<16xi32>
      %mul3A_95 = arith.constant 16 : i32
      %mul3A_96 = arith.muli %add3A_65, %mul3A_95 : i32
      %swap3A_97 = arith.index_cast %mul3A_96 : i32 to index
      %swap3A_98 = tpu.vector_load %arg12[%swap3A_97] {strides = array<i32>} : memref<2048xi32, #tpu.memory_space<vmem>>, vector<16xi32>,
      tpu.vector_store %arg12[%swap3A_97], %add3A_94 {strides = array<i32>} : memref<2048xi32, #tpu.memory_space<vmem>>, vector<16xi32>,
    }
    %scan3A_9 = arith.constant 128 : i32
    %add3A_10 = arith.constant 0 : i32
    %add3A_11 = arith.addi %mul3A_2, %add3A_10 : i32
    %dma_start3A = arith.constant 0 : i32
    %dma_start3A_12 = arith.constant 0 : i32
    %dma_start3A_13 = tpu.memref_slice %arg5[%dma_start3A, %dma_start3A_12] : memref<8x2048xf32, #tpu.memory_space<vmem>> -> memref<4x2048xf32, #tpu.memory_space<vmem>>
    %dma_start3A_14 = arith.constant 0 : i32
    %dma_start3A_15 = tpu.memref_slice %arg2[%add3A_11, %dma_start3A_14] : memref<8192x2048xf32, #tpu.memory_space<hbm>> -> memref<4x2048xf32, #tpu.memory_space<hbm>>
    %dma_start3A_16 = arith.constant 0 : i32
    %dma_start3A_17 = arith.constant 0 : i32
    %dma_start3A_18 = tpu.memref_slice %arg5[%dma_start3A_16, %dma_start3A_17] : memref<8x2048xf32, #tpu.memory_space<vmem>> -> memref<4x2048xf32, #tpu.memory_space<vmem>>
    %dma_start3A_19 = arith.constant 0 : i32
    %dma_start3A_20 = tpu.memref_slice %arg2[%add3A_11, %dma_start3A_19] : memref<8192x2048xf32, #tpu.memory_space<hbm>> -> memref<4x2048xf32, #tpu.memory_space<hbm>>
    tpu.enqueue_dma source(%dma_start3A_20 : memref<4x2048xf32, #tpu.memory_space<hbm>>) target(%dma_start3A_18 : memref<4x2048xf32, #tpu.memory_space<vmem>>) target_semaphore(%arg13 : memref<!tpu.dma_semaphore, #tpu.memory_space<semaphore_mem>>)
    %add3A_21 = arith.constant 4 : i32
    %add3A_22 = arith.addi %mul3A_2, %add3A_21 : i32
    %dma_start3A_23 = arith.constant 4 : i32
    %dma_start3A_24 = arith.constant 0 : i32
    %dma_start3A_25 = tpu.memref_slice %arg5[%dma_start3A_23, %dma_start3A_24] : memref<8x2048xf32, #tpu.memory_space<vmem>> -> memref<4x2048xf32, #tpu.memory_space<vmem>>
    %dma_start3A_26 = arith.constant 0 : i32
    %dma_start3A_27 = tpu.memref_slice %arg2[%add3A_22, %dma_start3A_26] : memref<8192x2048xf32, #tpu.memory_space<hbm>> -> memref<4x2048xf32, #tpu.memory_space<hbm>>
    %dma_start3A_28 = arith.constant 4 : i32
    %dma_start3A_29 = arith.constant 0 : i32
    %dma_start3A_30 = tpu.memref_slice %arg5[%dma_start3A_28, %dma_start3A_29] : memref<8x2048xf32, #tpu.memory_space<vmem>> -> memref<4x2048xf32, #tpu.memory_space<vmem>>
    %dma_start3A_31 = arith.constant 0 : i32
    %dma_start3A_32 = tpu.memref_slice %arg2[%add3A_22, %dma_start3A_31] : memref<8192x2048xf32, #tpu.memory_space<hbm>> -> memref<4x2048xf32, #tpu.memory_space<hbm>>
    tpu.enqueue_dma source(%dma_start3A_32 : memref<4x2048xf32, #tpu.memory_space<hbm>>) target(%dma_start3A_30 : memref<4x2048xf32, #tpu.memory_space<vmem>>) target_semaphore(%arg14 : memref<!tpu.dma_semaphore, #tpu.memory_space<semaphore_mem>>)
    %scan3A_33 = arith.constant 0 : i32
    %scan3A_34 = arith.constant 32 : i32
    %scan3A_35 = arith.addi %scan3A_33, %scan3A_34 : i32
    %scan3A_36 = arith.constant 1 : i32
    scf.for %scan3A_61 = %scan3A_33 to %scan3A_35 step %scan3A_36  : i32 {
      %mul3A_62 = arith.constant 2 : i32
      %mul3A_63 = arith.muli %scan3A_61, %mul3A_62 : i32
      %add3A_64 = arith.constant 0 : i32
      %add3A_65 = arith.addi %add3A_64, %mul3A_63 : i32
      %add3A_66 = arith.constant 0 : i32
      %add3A_67 = arith.addi %add3A_65, %add3A_66 : i32
      %mul3A_68 = arith.constant 4 : i32
      %mul3A_69 = arith.muli %add3A_67, %mul3A_68 : i32
      %add3A_70 = arith.addi %mul3A_2, %mul3A_69 : i32
      %dma_wait3A_71 = arith.constant 0 : i32
      %dma_wait3A_72 = arith.constant 0 : i32
      %dma_wait3A_73 = tpu.memref_slice %arg5[%dma_wait3A_71, %dma_wait3A_72] : memref<8x2048xf32, #tpu.memory_space<vmem>> -> memref<4x2048xf32, #tpu.memory_space<vmem>>
      %dma_wait3A_74 = arith.constant 0 : i32
      %dma_wait3A_75 = tpu.memref_slice %arg2[%add3A_70, %dma_wait3A_74] : memref<8192x2048xf32, #tpu.memory_space<hbm>> -> memref<4x2048xf32, #tpu.memory_space<hbm>>
      %dma_wait3A_76 = arith.constant 0 : i32
      %dma_wait3A_77 = arith.constant 0 : i32
      %dma_wait3A_78 = tpu.memref_slice %arg5[%dma_wait3A_76, %dma_wait3A_77] : memref<8x2048xf32, #tpu.memory_space<vmem>> -> memref<4x2048xf32, #tpu.memory_space<vmem>>
      %dma_wait3A_79 = arith.constant 0 : i32
      %dma_wait3A_80 = tpu.memref_slice %arg2[%add3A_70, %dma_wait3A_79] : memref<8192x2048xf32, #tpu.memory_space<hbm>> -> memref<4x2048xf32, #tpu.memory_space<hbm>>
      tpu.wait_dma2 semaphore(%arg13 : memref<!tpu.dma_semaphore, #tpu.memory_space<semaphore_mem>>) src(%dma_wait3A_80 : memref<4x2048xf32, #tpu.memory_space<hbm>>) dst(%dma_wait3A_78 : memref<4x2048xf32, #tpu.memory_space<vmem>>)
      %ge3A = arith.constant 2 : i32
      %ge3A_81 = arith.cmpi sge, %add3A_67, %ge3A : i32
      %convert_element_type3A_82 = arith.extui %ge3A_81 : i1 to i32
      %cond3A = arith.constant 0 : i32
      %cond3A_83 = arith.cmpi ne, %convert_element_type3A_82, %cond3A : i32
      scf.if %cond3A_83 {
        %sub3A = arith.constant 8 : i32
        %sub3A_356 = arith.subi %add3A_70, %sub3A : i32
        %dma_wait3A_357 = arith.constant 0 : i32
        %dma_wait3A_358 = arith.constant 0 : i32
        %dma_wait3A_359 = tpu.memref_slice %arg6[%dma_wait3A_357, %dma_wait3A_358] : memref<8x2048xf32, #tpu.memory_space<vmem>> -> memref<4x2048xf32, #tpu.memory_space<vmem>>
        %dma_wait3A_360 = arith.constant 0 : i32
        %dma_wait3A_361 = tpu.memref_slice %arg4[%sub3A_356, %dma_wait3A_360] : memref<8192x2048xf32, #tpu.memory_space<hbm>> -> memref<4x2048xf32, #tpu.memory_space<hbm>>
        %dma_wait3A_362 = arith.constant 0 : i32
        %dma_wait3A_363 = tpu.memref_slice %arg4[%sub3A_356, %dma_wait3A_362] : memref<8192x2048xf32, #tpu.memory_space<hbm>> -> memref<4x2048xf32, #tpu.memory_space<hbm>>
        %dma_wait3A_364 = arith.constant 0 : i32
        %dma_wait3A_365 = arith.constant 0 : i32
        %dma_wait3A_366 = tpu.memref_slice %arg6[%dma_wait3A_364, %dma_wait3A_365] : memref<8x2048xf32, #tpu.memory_space<vmem>> -> memref<4x2048xf32, #tpu.memory_space<vmem>>
        tpu.wait_dma2 semaphore(%arg15 : memref<!tpu.dma_semaphore, #tpu.memory_space<semaphore_mem>>) src(%dma_wait3A_366 : memref<4x2048xf32, #tpu.memory_space<vmem>>) dst(%dma_wait3A_363 : memref<4x2048xf32, #tpu.memory_space<hbm>>)
      } else {
      }
      %mul3A_84 = arith.constant 4 : i32
      %mul3A_85 = arith.muli %add3A_67, %mul3A_84 : i32
      %add3A_86 = arith.constant 0 : i32
      %add3A_87 = arith.addi %mul3A_85, %add3A_86 : i32
      %mul3A_88 = arith.constant 5 : i32
      %mul3A_89 = arith.muli %add3A_87, %mul3A_88 : i32
      %broadcast_in_dim3A = vector.broadcast %mul3A_89 : i32 to vector<16xi32>
      %add3A_90 = arith.constant 0 : i32
      %add3A_91 = vector.broadcast %add3A_90 : i32 to vector<16xi32>
      %add3A_92 = arith.addi %broadcast_in_dim3A, %add3A_91 : vector<16xi32>
      %gather3A = tpu.vector_load_idx %arg7[%add3A_92] : memref<1280xf32, #tpu.memory_space<vmem>>[vector<16xi32>], vector<16xf32>,
      %add3A_93 = arith.constant 1 : i32
      %add3A_94 = vector.broadcast %add3A_93 : i32 to vector<16xi32>
      %add3A_95 = arith.addi %broadcast_in_dim3A, %add3A_94 : vector<16xi32>
      %gather3A_96 = tpu.vector_load_idx %arg7[%add3A_95] : memref<1280xf32, #tpu.memory_space<vmem>>[vector<16xi32>], vector<16xf32>,
      %add3A_97 = arith.constant 2 : i32
      %add3A_98 = vector.broadcast %add3A_97 : i32 to vector<16xi32>
      %add3A_99 = arith.addi %broadcast_in_dim3A, %add3A_98 : vector<16xi32>
      %gather3A_100 = tpu.vector_load_idx %arg7[%add3A_99] : memref<1280xf32, #tpu.memory_space<vmem>>[vector<16xi32>], vector<16xf32>,
      %add3A_101 = arith.constant 3 : i32
      %add3A_102 = vector.broadcast %add3A_101 : i32 to vector<16xi32>
      %add3A_103 = arith.addi %broadcast_in_dim3A, %add3A_102 : vector<16xi32>
      %gather3A_104 = tpu.vector_load_idx %arg7[%add3A_103] : memref<1280xf32, #tpu.memory_space<vmem>>[vector<16xi32>], vector<16xf32>,
      %add3A_105 = arith.constant 4 : i32
      %add3A_106 = vector.broadcast %add3A_105 : i32 to vector<16xi32>
      %add3A_107 = arith.addi %broadcast_in_dim3A, %add3A_106 : vector<16xi32>
      %gather3A_108 = tpu.vector_load_idx %arg7[%add3A_107] : memref<1280xf32, #tpu.memory_space<vmem>>[vector<16xi32>], vector<16xf32>,
      %mul3A_109 = arith.constant 4 : i32
      %mul3A_110 = arith.muli %add3A_67, %mul3A_109 : i32
      %add3A_111 = arith.constant 1 : i32
      %add3A_112 = arith.addi %mul3A_110, %add3A_111 : i32
      %mul3A_113 = arith.constant 5 : i32
      %mul3A_114 = arith.muli %add3A_112, %mul3A_113 : i32
      %broadcast_in_dim3A_115 = vector.broadcast %mul3A_114 : i32 to vector<16xi32>
      %add3A_116 = arith.constant 0 : i32
      %add3A_117 = vector.broadcast %add3A_116 : i32 to vector<16xi32>
      %add3A_118 = arith.addi %broadcast_in_dim3A_115, %add3A_117 : vector<16xi32>
      %gather3A_119 = tpu.vector_load_idx %arg7[%add3A_118] : memref<1280xf32, #tpu.memory_space<vmem>>[vector<16xi32>], vector<16xf32>,
      %add3A_120 = arith.constant 1 : i32
      %add3A_121 = vector.broadcast %add3A_120 : i32 to vector<16xi32>
      %add3A_122 = arith.addi %broadcast_in_dim3A_115, %add3A_121 : vector<16xi32>
      %gather3A_123 = tpu.vector_load_idx %arg7[%add3A_122] : memref<1280xf32, #tpu.memory_space<vmem>>[vector<16xi32>], vector<16xf32>,
      %add3A_124 = arith.constant 2 : i32
      %add3A_125 = vector.broadcast %add3A_124 : i32 to vector<16xi32>
      %add3A_126 = arith.addi %broadcast_in_dim3A_115, %add3A_125 : vector<16xi32>
      %gather3A_127 = tpu.vector_load_idx %arg7[%add3A_126] : memref<1280xf32, #tpu.memory_space<vmem>>[vector<16xi32>], vector<16xf32>,
      %add3A_128 = arith.constant 3 : i32
      %add3A_129 = vector.broadcast %add3A_128 : i32 to vector<16xi32>
      %add3A_130 = arith.addi %broadcast_in_dim3A_115, %add3A_129 : vector<16xi32>
      %gather3A_131 = tpu.vector_load_idx %arg7[%add3A_130] : memref<1280xf32, #tpu.memory_space<vmem>>[vector<16xi32>], vector<16xf32>,
      %add3A_132 = arith.constant 4 : i32
      %add3A_133 = vector.broadcast %add3A_132 : i32 to vector<16xi32>
      %add3A_134 = arith.addi %broadcast_in_dim3A_115, %add3A_133 : vector<16xi32>
      %gather3A_135 = tpu.vector_load_idx %arg7[%add3A_134] : memref<1280xf32, #tpu.memory_space<vmem>>[vector<16xi32>], vector<16xf32>,
      %mul3A_136 = arith.constant 4 : i32
      %mul3A_137 = arith.muli %add3A_67, %mul3A_136 : i32
      %add3A_138 = arith.constant 2 : i32
      %add3A_139 = arith.addi %mul3A_137, %add3A_138 : i32
      %mul3A_140 = arith.constant 5 : i32
      %mul3A_141 = arith.muli %add3A_139, %mul3A_140 : i32
      %broadcast_in_dim3A_142 = vector.broadcast %mul3A_141 : i32 to vector<16xi32>
      %add3A_143 = arith.constant 0 : i32
      %add3A_144 = vector.broadcast %add3A_143 : i32 to vector<16xi32>
      %add3A_145 = arith.addi %broadcast_in_dim3A_142, %add3A_144 : vector<16xi32>
      %gather3A_146 = tpu.vector_load_idx %arg7[%add3A_145] : memref<1280xf32, #tpu.memory_space<vmem>>[vector<16xi32>], vector<16xf32>,
      %add3A_147 = arith.constant 1 : i32
      %add3A_148 = vector.broadcast %add3A_147 : i32 to vector<16xi32>
      %add3A_149 = arith.addi %broadcast_in_dim3A_142, %add3A_148 : vector<16xi32>
      %gather3A_150 = tpu.vector_load_idx %arg7[%add3A_149] : memref<1280xf32, #tpu.memory_space<vmem>>[vector<16xi32>], vector<16xf32>,
      %add3A_151 = arith.constant 2 : i32
      %add3A_152 = vector.broadcast %add3A_151 : i32 to vector<16xi32>
      %add3A_153 = arith.addi %broadcast_in_dim3A_142, %add3A_152 : vector<16xi32>
      %gather3A_154 = tpu.vector_load_idx %arg7[%add3A_153] : memref<1280xf32, #tpu.memory_space<vmem>>[vector<16xi32>], vector<16xf32>,
      %add3A_155 = arith.constant 3 : i32
      %add3A_156 = vector.broadcast %add3A_155 : i32 to vector<16xi32>
      %add3A_157 = arith.addi %broadcast_in_dim3A_142, %add3A_156 : vector<16xi32>
      %gather3A_158 = tpu.vector_load_idx %arg7[%add3A_157] : memref<1280xf32, #tpu.memory_space<vmem>>[vector<16xi32>], vector<16xf32>,
      %add3A_159 = arith.constant 4 : i32
      %add3A_160 = vector.broadcast %add3A_159 : i32 to vector<16xi32>
      %add3A_161 = arith.addi %broadcast_in_dim3A_142, %add3A_160 : vector<16xi32>
      %gather3A_162 = tpu.vector_load_idx %arg7[%add3A_161] : memref<1280xf32, #tpu.memory_space<vmem>>[vector<16xi32>], vector<16xf32>,
      %mul3A_163 = arith.constant 4 : i32
      %mul3A_164 = arith.muli %add3A_67, %mul3A_163 : i32
      %add3A_165 = arith.constant 3 : i32
      %add3A_166 = arith.addi %mul3A_164, %add3A_165 : i32
      %mul3A_167 = arith.constant 5 : i32
      %mul3A_168 = arith.muli %add3A_166, %mul3A_167 : i32
      %broadcast_in_dim3A_169 = vector.broadcast %mul3A_168 : i32 to vector<16xi32>
      %add3A_170 = arith.constant 0 : i32
      %add3A_171 = vector.broadcast %add3A_170 : i32 to vector<16xi32>
      %add3A_172 = arith.addi %broadcast_in_dim3A_169, %add3A_171 : vector<16xi32>
      %gather3A_173 = tpu.vector_load_idx %arg7[%add3A_172] : memref<1280xf32, #tpu.memory_space<vmem>>[vector<16xi32>], vector<16xf32>,
      %add3A_174 = arith.constant 1 : i32
      %add3A_175 = vector.broadcast %add3A_174 : i32 to vector<16xi32>
      %add3A_176 = arith.addi %broadcast_in_dim3A_169, %add3A_175 : vector<16xi32>
      %gather3A_177 = tpu.vector_load_idx %arg7[%add3A_176] : memref<1280xf32, #tpu.memory_space<vmem>>[vector<16xi32>], vector<16xf32>,
      %add3A_178 = arith.constant 2 : i32
      %add3A_179 = vector.broadcast %add3A_178 : i32 to vector<16xi32>
      %add3A_180 = arith.addi %broadcast_in_dim3A_169, %add3A_179 : vector<16xi32>
      %gather3A_181 = tpu.vector_load_idx %arg7[%add3A_180] : memref<1280xf32, #tpu.memory_space<vmem>>[vector<16xi32>], vector<16xf32>,
      %add3A_182 = arith.constant 3 : i32
      %add3A_183 = vector.broadcast %add3A_182 : i32 to vector<16xi32>
      %add3A_184 = arith.addi %broadcast_in_dim3A_169, %add3A_183 : vector<16xi32>
      %gather3A_185 = tpu.vector_load_idx %arg7[%add3A_184] : memref<1280xf32, #tpu.memory_space<vmem>>[vector<16xi32>], vector<16xf32>,
      %add3A_186 = arith.constant 4 : i32
      %add3A_187 = vector.broadcast %add3A_186 : i32 to vector<16xi32>
      %add3A_188 = arith.addi %broadcast_in_dim3A_169, %add3A_187 : vector<16xi32>
      %gather3A_189 = tpu.vector_load_idx %arg7[%add3A_188] : memref<1280xf32, #tpu.memory_space<vmem>>[vector<16xi32>], vector<16xf32>,
      %parallel_loop3A = arith.constant 0 : i32
      %parallel_loop3A_190 = arith.constant 128 : i32
      %parallel_loop3A_191 = arith.constant 1 : i32
      scf.for %parallel_loop3A_356 = %parallel_loop3A to %parallel_loop3A_190 step %parallel_loop3A_191  : i32 {
        %parallel_loop3A_357 = arith.constant 16 : i32
        %parallel_loop3A_358 = arith.muli %parallel_loop3A_356, %parallel_loop3A_357 : i32
        %parallel_loop3A_359 = arith.index_cast %parallel_loop3A_358 : i32 to index
        %parallel_loop3A_360 = tpu.vector_load %arg8[%parallel_loop3A_359] {strides = array<i32>} : memref<2048xf32, #tpu.memory_space<vmem>>, vector<16xf32>,
        %parallel_loop3A_361 = arith.index_cast %parallel_loop3A_358 : i32 to index
        %parallel_loop3A_362 = tpu.vector_load %arg9[%parallel_loop3A_361] {strides = array<i32>} : memref<2048xf32, #tpu.memory_space<vmem>>, vector<16xf32>,
        %parallel_loop3A_363 = arith.index_cast %parallel_loop3A_358 : i32 to index
        %parallel_loop3A_364 = tpu.vector_load %arg10[%parallel_loop3A_363] {strides = array<i32>} : memref<2048xf32, #tpu.memory_space<vmem>>, vector<16xf32>,
        %parallel_loop3A_365 = arith.index_cast %parallel_loop3A_358 : i32 to index
        %parallel_loop3A_366 = tpu.vector_load %arg11[%parallel_loop3A_365] {strides = array<i32>} : memref<2048xf32, #tpu.memory_space<vmem>>, vector<16xf32>,
        %parallel_loop3A_367 = arith.index_cast %parallel_loop3A_358 : i32 to index
        %parallel_loop3A_368 = tpu.vector_load %arg12[%parallel_loop3A_367] {strides = array<i32>} : memref<2048xi32, #tpu.memory_space<vmem>>, vector<16xi32>,
        %parallel_loop3A_369 = arith.constant 0 : i32
        %parallel_loop3A_370 = vector.broadcast %parallel_loop3A_369 : i32 to vector<16xi32>
        %parallel_loop3A_371 = arith.mulf %gather3A, %parallel_loop3A_366 : vector<16xf32>
        %parallel_loop3A_372 = arith.mulf %gather3A_96, %parallel_loop3A_364 : vector<16xf32>
        %parallel_loop3A_373 = arith.addf %parallel_loop3A_371, %parallel_loop3A_372 : vector<16xf32>
        %parallel_loop3A_374 = arith.mulf %gather3A_100, %parallel_loop3A_362 : vector<16xf32>
        %parallel_loop3A_375 = arith.addf %parallel_loop3A_373, %parallel_loop3A_374 : vector<16xf32>
        %parallel_loop3A_376 = arith.mulf %gather3A_104, %parallel_loop3A_360 : vector<16xf32>
        %parallel_loop3A_377 = arith.addf %parallel_loop3A_375, %parallel_loop3A_376 : vector<16xf32>
        %parallel_loop3A_378 = arith.addf %parallel_loop3A_377, %gather3A_108 : vector<16xf32>
        %parallel_loop3A_379 = arith.constant 0x4B400000 : f32
        %parallel_loop3A_380 = vector.broadcast %parallel_loop3A_379 : f32 to vector<16xf32>
        %parallel_loop3A_381 = arith.addf %parallel_loop3A_378, %parallel_loop3A_380 : vector<16xf32>
        %parallel_loop3A_382 = arith.constant 0x4B400000 : f32
        %parallel_loop3A_383 = vector.broadcast %parallel_loop3A_382 : f32 to vector<16xf32>
        %parallel_loop3A_384 = arith.subf %parallel_loop3A_381, %parallel_loop3A_383 : vector<16xf32>
        %parallel_loop3A_385 = arith.subf %parallel_loop3A_378, %parallel_loop3A_384 : vector<16xf32>
        %parallel_loop3A_386 = tpu.bitcast %parallel_loop3A_381 : vector<16xf32> -> vector<16xi32>
        %parallel_loop3A_387 = arith.constant 8388607 : i32
        %parallel_loop3A_388 = vector.broadcast %parallel_loop3A_387 : i32 to vector<16xi32>
        %parallel_loop3A_389 = arith.andi %parallel_loop3A_386, %parallel_loop3A_388 : vector<16xi32>
        %parallel_loop3A_390 = arith.subi %parallel_loop3A_368, %parallel_loop3A_389 : vector<16xi32>
        %parallel_loop3A_391 = arith.constant 1 : i32
        %parallel_loop3A_392 = vector.broadcast %parallel_loop3A_391 : i32 to vector<16xi32>
        %parallel_loop3A_393 = arith.maxsi %parallel_loop3A_390, %parallel_loop3A_392 : vector<16xi32>
        %parallel_loop3A_394 = arith.constant 2047 : i32
        %parallel_loop3A_395 = vector.broadcast %parallel_loop3A_394 : i32 to vector<16xi32>
        %parallel_loop3A_396 = arith.minsi %parallel_loop3A_393, %parallel_loop3A_395 : vector<16xi32>
        %parallel_loop3A_397 = tpu.vector_load_idx %arg5[%parallel_loop3A_370, %parallel_loop3A_396] : memref<8x2048xf32, #tpu.memory_space<vmem>>[vector<16xi32>, vector<16xi32>], vector<16xf32>,
        %parallel_loop3A_398 = arith.constant 1 : i32
        %parallel_loop3A_399 = vector.broadcast %parallel_loop3A_398 : i32 to vector<16xi32>
        %parallel_loop3A_400 = arith.subi %parallel_loop3A_396, %parallel_loop3A_399 : vector<16xi32>
        %parallel_loop3A_401 = tpu.vector_load_idx %arg5[%parallel_loop3A_370, %parallel_loop3A_400] : memref<8x2048xf32, #tpu.memory_space<vmem>>[vector<16xi32>, vector<16xi32>], vector<16xf32>,
        %parallel_loop3A_402 = arith.subf %parallel_loop3A_401, %parallel_loop3A_397 : vector<16xf32>
        %parallel_loop3A_403 = arith.mulf %parallel_loop3A_385, %parallel_loop3A_402 : vector<16xf32>
        %parallel_loop3A_404 = arith.addf %parallel_loop3A_397, %parallel_loop3A_403 : vector<16xf32>
        %parallel_loop3A_405 = arith.constant 0 : i32
        %parallel_loop3A_406 = arith.index_cast %parallel_loop3A_405 : i32 to index
        %parallel_loop3A_407 = arith.index_cast %parallel_loop3A_358 : i32 to index
        %parallel_loop3A_408 = tpu.vector_load %arg6[%parallel_loop3A_406, %parallel_loop3A_407] {strides = array<i32>} : memref<8x2048xf32, #tpu.memory_space<vmem>>, vector<16xf32>,
        tpu.vector_store %arg6[%parallel_loop3A_406, %parallel_loop3A_407], %parallel_loop3A_404 {strides = array<i32>} : memref<8x2048xf32, #tpu.memory_space<vmem>>, vector<16xf32>,
        %parallel_loop3A_409 = arith.constant 1 : i32
        %parallel_loop3A_410 = vector.broadcast %parallel_loop3A_409 : i32 to vector<16xi32>
        %parallel_loop3A_411 = arith.mulf %gather3A_119, %parallel_loop3A_366 : vector<16xf32>
        %parallel_loop3A_412 = arith.mulf %gather3A_123, %parallel_loop3A_364 : vector<16xf32>
        %parallel_loop3A_413 = arith.addf %parallel_loop3A_411, %parallel_loop3A_412 : vector<16xf32>
        %parallel_loop3A_414 = arith.mulf %gather3A_127, %parallel_loop3A_362 : vector<16xf32>
        %parallel_loop3A_415 = arith.addf %parallel_loop3A_413, %parallel_loop3A_414 : vector<16xf32>
        %parallel_loop3A_416 = arith.mulf %gather3A_131, %parallel_loop3A_360 : vector<16xf32>
        %parallel_loop3A_417 = arith.addf %parallel_loop3A_415, %parallel_loop3A_416 : vector<16xf32>
        %parallel_loop3A_418 = arith.addf %parallel_loop3A_417, %gather3A_135 : vector<16xf32>
        %parallel_loop3A_419 = arith.constant 0x4B400000 : f32
        %parallel_loop3A_420 = vector.broadcast %parallel_loop3A_419 : f32 to vector<16xf32>
        %parallel_loop3A_421 = arith.addf %parallel_loop3A_418, %parallel_loop3A_420 : vector<16xf32>
        %parallel_loop3A_422 = arith.constant 0x4B400000 : f32
        %parallel_loop3A_423 = vector.broadcast %parallel_loop3A_422 : f32 to vector<16xf32>
        %parallel_loop3A_424 = arith.subf %parallel_loop3A_421, %parallel_loop3A_423 : vector<16xf32>
        %parallel_loop3A_425 = arith.subf %parallel_loop3A_418, %parallel_loop3A_424 : vector<16xf32>
        %parallel_loop3A_426 = tpu.bitcast %parallel_loop3A_421 : vector<16xf32> -> vector<16xi32>
        %parallel_loop3A_427 = arith.constant 8388607 : i32
        %parallel_loop3A_428 = vector.broadcast %parallel_loop3A_427 : i32 to vector<16xi32>
        %parallel_loop3A_429 = arith.andi %parallel_loop3A_426, %parallel_loop3A_428 : vector<16xi32>
        %parallel_loop3A_430 = arith.subi %parallel_loop3A_368, %parallel_loop3A_429 : vector<16xi32>
        %parallel_loop3A_431 = arith.constant 1 : i32
        %parallel_loop3A_432 = vector.broadcast %parallel_loop3A_431 : i32 to vector<16xi32>
        %parallel_loop3A_433 = arith.maxsi %parallel_loop3A_430, %parallel_loop3A_432 : vector<16xi32>
        %parallel_loop3A_434 = arith.constant 2047 : i32
        %parallel_loop3A_435 = vector.broadcast %parallel_loop3A_434 : i32 to vector<16xi32>
        %parallel_loop3A_436 = arith.minsi %parallel_loop3A_433, %parallel_loop3A_435 : vector<16xi32>
        %parallel_loop3A_437 = tpu.vector_load_idx %arg5[%parallel_loop3A_410, %parallel_loop3A_436] : memref<8x2048xf32, #tpu.memory_space<vmem>>[vector<16xi32>, vector<16xi32>], vector<16xf32>,
        %parallel_loop3A_438 = arith.constant 1 : i32
        %parallel_loop3A_439 = vector.broadcast %parallel_loop3A_438 : i32 to vector<16xi32>
        %parallel_loop3A_440 = arith.subi %parallel_loop3A_436, %parallel_loop3A_439 : vector<16xi32>
        %parallel_loop3A_441 = tpu.vector_load_idx %arg5[%parallel_loop3A_410, %parallel_loop3A_440] : memref<8x2048xf32, #tpu.memory_space<vmem>>[vector<16xi32>, vector<16xi32>], vector<16xf32>,
        %parallel_loop3A_442 = arith.subf %parallel_loop3A_441, %parallel_loop3A_437 : vector<16xf32>
        %parallel_loop3A_443 = arith.mulf %parallel_loop3A_425, %parallel_loop3A_442 : vector<16xf32>
        %parallel_loop3A_444 = arith.addf %parallel_loop3A_437, %parallel_loop3A_443 : vector<16xf32>
        %parallel_loop3A_445 = arith.constant 1 : i32
        %parallel_loop3A_446 = arith.index_cast %parallel_loop3A_445 : i32 to index
        %parallel_loop3A_447 = arith.index_cast %parallel_loop3A_358 : i32 to index
        %parallel_loop3A_448 = tpu.vector_load %arg6[%parallel_loop3A_446, %parallel_loop3A_447] {strides = array<i32>} : memref<8x2048xf32, #tpu.memory_space<vmem>>, vector<16xf32>,
        tpu.vector_store %arg6[%parallel_loop3A_446, %parallel_loop3A_447], %parallel_loop3A_444 {strides = array<i32>} : memref<8x2048xf32, #tpu.memory_space<vmem>>, vector<16xf32>,
        %parallel_loop3A_449 = arith.constant 2 : i32
        %parallel_loop3A_450 = vector.broadcast %parallel_loop3A_449 : i32 to vector<16xi32>
        %parallel_loop3A_451 = arith.mulf %gather3A_146, %parallel_loop3A_366 : vector<16xf32>
        %parallel_loop3A_452 = arith.mulf %gather3A_150, %parallel_loop3A_364 : vector<16xf32>
        %parallel_loop3A_453 = arith.addf %parallel_loop3A_451, %parallel_loop3A_452 : vector<16xf32>
        %parallel_loop3A_454 = arith.mulf %gather3A_154, %parallel_loop3A_362 : vector<16xf32>
        %parallel_loop3A_455 = arith.addf %parallel_loop3A_453, %parallel_loop3A_454 : vector<16xf32>
        %parallel_loop3A_456 = arith.mulf %gather3A_158, %parallel_loop3A_360 : vector<16xf32>
        %parallel_loop3A_457 = arith.addf %parallel_loop3A_455, %parallel_loop3A_456 : vector<16xf32>
        %parallel_loop3A_458 = arith.addf %parallel_loop3A_457, %gather3A_162 : vector<16xf32>
        %parallel_loop3A_459 = arith.constant 0x4B400000 : f32
        %parallel_loop3A_460 = vector.broadcast %parallel_loop3A_459 : f32 to vector<16xf32>
        %parallel_loop3A_461 = arith.addf %parallel_loop3A_458, %parallel_loop3A_460 : vector<16xf32>
        %parallel_loop3A_462 = arith.constant 0x4B400000 : f32
        %parallel_loop3A_463 = vector.broadcast %parallel_loop3A_462 : f32 to vector<16xf32>
        %parallel_loop3A_464 = arith.subf %parallel_loop3A_461, %parallel_loop3A_463 : vector<16xf32>
        %parallel_loop3A_465 = arith.subf %parallel_loop3A_458, %parallel_loop3A_464 : vector<16xf32>
        %parallel_loop3A_466 = tpu.bitcast %parallel_loop3A_461 : vector<16xf32> -> vector<16xi32>
        %parallel_loop3A_467 = arith.constant 8388607 : i32
        %parallel_loop3A_468 = vector.broadcast %parallel_loop3A_467 : i32 to vector<16xi32>
        %parallel_loop3A_469 = arith.andi %parallel_loop3A_466, %parallel_loop3A_468 : vector<16xi32>
        %parallel_loop3A_470 = arith.subi %parallel_loop3A_368, %parallel_loop3A_469 : vector<16xi32>
        %parallel_loop3A_471 = arith.constant 1 : i32
        %parallel_loop3A_472 = vector.broadcast %parallel_loop3A_471 : i32 to vector<16xi32>
        %parallel_loop3A_473 = arith.maxsi %parallel_loop3A_470, %parallel_loop3A_472 : vector<16xi32>
        %parallel_loop3A_474 = arith.constant 2047 : i32
        %parallel_loop3A_475 = vector.broadcast %parallel_loop3A_474 : i32 to vector<16xi32>
        %parallel_loop3A_476 = arith.minsi %parallel_loop3A_473, %parallel_loop3A_475 : vector<16xi32>
        %parallel_loop3A_477 = tpu.vector_load_idx %arg5[%parallel_loop3A_450, %parallel_loop3A_476] : memref<8x2048xf32, #tpu.memory_space<vmem>>[vector<16xi32>, vector<16xi32>], vector<16xf32>,
        %parallel_loop3A_478 = arith.constant 1 : i32
        %parallel_loop3A_479 = vector.broadcast %parallel_loop3A_478 : i32 to vector<16xi32>
        %parallel_loop3A_480 = arith.subi %parallel_loop3A_476, %parallel_loop3A_479 : vector<16xi32>
        %parallel_loop3A_481 = tpu.vector_load_idx %arg5[%parallel_loop3A_450, %parallel_loop3A_480] : memref<8x2048xf32, #tpu.memory_space<vmem>>[vector<16xi32>, vector<16xi32>], vector<16xf32>,
        %parallel_loop3A_482 = arith.subf %parallel_loop3A_481, %parallel_loop3A_477 : vector<16xf32>
        %parallel_loop3A_483 = arith.mulf %parallel_loop3A_465, %parallel_loop3A_482 : vector<16xf32>
        %parallel_loop3A_484 = arith.addf %parallel_loop3A_477, %parallel_loop3A_483 : vector<16xf32>
        %parallel_loop3A_485 = arith.constant 2 : i32
        %parallel_loop3A_486 = arith.index_cast %parallel_loop3A_485 : i32 to index
        %parallel_loop3A_487 = arith.index_cast %parallel_loop3A_358 : i32 to index
        %parallel_loop3A_488 = tpu.vector_load %arg6[%parallel_loop3A_486, %parallel_loop3A_487] {strides = array<i32>} : memref<8x2048xf32, #tpu.memory_space<vmem>>, vector<16xf32>,
        tpu.vector_store %arg6[%parallel_loop3A_486, %parallel_loop3A_487], %parallel_loop3A_484 {strides = array<i32>} : memref<8x2048xf32, #tpu.memory_space<vmem>>, vector<16xf32>,
        %parallel_loop3A_489 = arith.constant 3 : i32
        %parallel_loop3A_490 = vector.broadcast %parallel_loop3A_489 : i32 to vector<16xi32>
        %parallel_loop3A_491 = arith.mulf %gather3A_173, %parallel_loop3A_366 : vector<16xf32>
        %parallel_loop3A_492 = arith.mulf %gather3A_177, %parallel_loop3A_364 : vector<16xf32>
        %parallel_loop3A_493 = arith.addf %parallel_loop3A_491, %parallel_loop3A_492 : vector<16xf32>
        %parallel_loop3A_494 = arith.mulf %gather3A_181, %parallel_loop3A_362 : vector<16xf32>
        %parallel_loop3A_495 = arith.addf %parallel_loop3A_493, %parallel_loop3A_494 : vector<16xf32>
        %parallel_loop3A_496 = arith.mulf %gather3A_185, %parallel_loop3A_360 : vector<16xf32>
        %parallel_loop3A_497 = arith.addf %parallel_loop3A_495, %parallel_loop3A_496 : vector<16xf32>
        %parallel_loop3A_498 = arith.addf %parallel_loop3A_497, %gather3A_189 : vector<16xf32>
        %parallel_loop3A_499 = arith.constant 0x4B400000 : f32
        %parallel_loop3A_500 = vector.broadcast %parallel_loop3A_499 : f32 to vector<16xf32>
        %parallel_loop3A_501 = arith.addf %parallel_loop3A_498, %parallel_loop3A_500 : vector<16xf32>
        %parallel_loop3A_502 = arith.constant 0x4B400000 : f32
        %parallel_loop3A_503 = vector.broadcast %parallel_loop3A_502 : f32 to vector<16xf32>
        %parallel_loop3A_504 = arith.subf %parallel_loop3A_501, %parallel_loop3A_503 : vector<16xf32>
        %parallel_loop3A_505 = arith.subf %parallel_loop3A_498, %parallel_loop3A_504 : vector<16xf32>
        %parallel_loop3A_506 = tpu.bitcast %parallel_loop3A_501 : vector<16xf32> -> vector<16xi32>
        %parallel_loop3A_507 = arith.constant 8388607 : i32
        %parallel_loop3A_508 = vector.broadcast %parallel_loop3A_507 : i32 to vector<16xi32>
        %parallel_loop3A_509 = arith.andi %parallel_loop3A_506, %parallel_loop3A_508 : vector<16xi32>
        %parallel_loop3A_510 = arith.subi %parallel_loop3A_368, %parallel_loop3A_509 : vector<16xi32>
        %parallel_loop3A_511 = arith.constant 1 : i32
        %parallel_loop3A_512 = vector.broadcast %parallel_loop3A_511 : i32 to vector<16xi32>
        %parallel_loop3A_513 = arith.maxsi %parallel_loop3A_510, %parallel_loop3A_512 : vector<16xi32>
        %parallel_loop3A_514 = arith.constant 2047 : i32
        %parallel_loop3A_515 = vector.broadcast %parallel_loop3A_514 : i32 to vector<16xi32>
        %parallel_loop3A_516 = arith.minsi %parallel_loop3A_513, %parallel_loop3A_515 : vector<16xi32>
        %parallel_loop3A_517 = tpu.vector_load_idx %arg5[%parallel_loop3A_490, %parallel_loop3A_516] : memref<8x2048xf32, #tpu.memory_space<vmem>>[vector<16xi32>, vector<16xi32>], vector<16xf32>,
        %parallel_loop3A_518 = arith.constant 1 : i32
        %parallel_loop3A_519 = vector.broadcast %parallel_loop3A_518 : i32 to vector<16xi32>
        %parallel_loop3A_520 = arith.subi %parallel_loop3A_516, %parallel_loop3A_519 : vector<16xi32>
        %parallel_loop3A_521 = tpu.vector_load_idx %arg5[%parallel_loop3A_490, %parallel_loop3A_520] : memref<8x2048xf32, #tpu.memory_space<vmem>>[vector<16xi32>, vector<16xi32>], vector<16xf32>,
        %parallel_loop3A_522 = arith.subf %parallel_loop3A_521, %parallel_loop3A_517 : vector<16xf32>
        %parallel_loop3A_523 = arith.mulf %parallel_loop3A_505, %parallel_loop3A_522 : vector<16xf32>
        %parallel_loop3A_524 = arith.addf %parallel_loop3A_517, %parallel_loop3A_523 : vector<16xf32>
        %parallel_loop3A_525 = arith.constant 3 : i32
        %parallel_loop3A_526 = arith.index_cast %parallel_loop3A_525 : i32 to index
        %parallel_loop3A_527 = arith.index_cast %parallel_loop3A_358 : i32 to index
        %parallel_loop3A_528 = tpu.vector_load %arg6[%parallel_loop3A_526, %parallel_loop3A_527] {strides = array<i32>} : memref<8x2048xf32, #tpu.memory_space<vmem>>, vector<16xf32>,
        tpu.vector_store %arg6[%parallel_loop3A_526, %parallel_loop3A_527], %parallel_loop3A_524 {strides = array<i32>} : memref<8x2048xf32, #tpu.memory_space<vmem>>, vector<16xf32>,
      } {sc.loop_unroll_factor = 1 : i64, sc.parallel_access}
      %dma_start3A_192 = arith.constant 0 : i32
      %dma_start3A_193 = arith.constant 0 : i32
      %dma_start3A_194 = tpu.memref_slice %arg6[%dma_start3A_192, %dma_start3A_193] : memref<8x2048xf32, #tpu.memory_space<vmem>> -> memref<4x2048xf32, #tpu.memory_space<vmem>>
      %dma_start3A_195 = arith.constant 0 : i32
      %dma_start3A_196 = tpu.memref_slice %arg4[%add3A_70, %dma_start3A_195] : memref<8192x2048xf32, #tpu.memory_space<hbm>> -> memref<4x2048xf32, #tpu.memory_space<hbm>>
      %dma_start3A_197 = arith.constant 0 : i32
      %dma_start3A_198 = tpu.memref_slice %arg4[%add3A_70, %dma_start3A_197] : memref<8192x2048xf32, #tpu.memory_space<hbm>> -> memref<4x2048xf32, #tpu.memory_space<hbm>>
      %dma_start3A_199 = arith.constant 0 : i32
      %dma_start3A_200 = arith.constant 0 : i32
      %dma_start3A_201 = tpu.memref_slice %arg6[%dma_start3A_199, %dma_start3A_200] : memref<8x2048xf32, #tpu.memory_space<vmem>> -> memref<4x2048xf32, #tpu.memory_space<vmem>>
      tpu.enqueue_dma source(%dma_start3A_201 : memref<4x2048xf32, #tpu.memory_space<vmem>>) target(%dma_start3A_198 : memref<4x2048xf32, #tpu.memory_space<hbm>>) target_semaphore(%arg15 : memref<!tpu.dma_semaphore, #tpu.memory_space<semaphore_mem>>)
      %add3A_202 = arith.constant 2 : i32
      %add3A_203 = arith.addi %add3A_67, %add3A_202 : i32
      %lt3A = arith.constant 64 : i32
      %lt3A_204 = arith.cmpi slt, %add3A_203, %lt3A : i32
      %convert_element_type3A_205 = arith.extui %lt3A_204 : i1 to i32
      %cond3A_206 = arith.constant 0 : i32
      %cond3A_207 = arith.cmpi ne, %convert_element_type3A_205, %cond3A_206 : i32
      scf.if %cond3A_207 {
        %add3A_356 = arith.constant 8 : i32
        %add3A_357 = arith.addi %add3A_70, %add3A_356 : i32
        %dma_start3A_358 = arith.constant 0 : i32
        %dma_start3A_359 = arith.constant 0 : i32
        %dma_start3A_360 = tpu.memref_slice %arg5[%dma_start3A_358, %dma_start3A_359] : memref<8x2048xf32, #tpu.memory_space<vmem>> -> memref<4x2048xf32, #tpu.memory_space<vmem>>
        %dma_start3A_361 = arith.constant 0 : i32
        %dma_start3A_362 = tpu.memref_slice %arg2[%add3A_357, %dma_start3A_361] : memref<8192x2048xf32, #tpu.memory_space<hbm>> -> memref<4x2048xf32, #tpu.memory_space<hbm>>
        %dma_start3A_363 = arith.constant 0 : i32
        %dma_start3A_364 = arith.constant 0 : i32
        %dma_start3A_365 = tpu.memref_slice %arg5[%dma_start3A_363, %dma_start3A_364] : memref<8x2048xf32, #tpu.memory_space<vmem>> -> memref<4x2048xf32, #tpu.memory_space<vmem>>
        %dma_start3A_366 = arith.constant 0 : i32
        %dma_start3A_367 = tpu.memref_slice %arg2[%add3A_357, %dma_start3A_366] : memref<8192x2048xf32, #tpu.memory_space<hbm>> -> memref<4x2048xf32, #tpu.memory_space<hbm>>
        tpu.enqueue_dma source(%dma_start3A_367 : memref<4x2048xf32, #tpu.memory_space<hbm>>) target(%dma_start3A_365 : memref<4x2048xf32, #tpu.memory_space<vmem>>) target_semaphore(%arg13 : memref<!tpu.dma_semaphore, #tpu.memory_space<semaphore_mem>>)
      } else {
      }
      %add3A_208 = arith.constant 1 : i32
      %add3A_209 = arith.addi %add3A_65, %add3A_208 : i32
      %mul3A_210 = arith.constant 4 : i32
      %mul3A_211 = arith.muli %add3A_209, %mul3A_210 : i32
      %add3A_212 = arith.addi %mul3A_2, %mul3A_211 : i32
      %dma_wait3A_213 = arith.constant 4 : i32
      %dma_wait3A_214 = arith.constant 0 : i32
      %dma_wait3A_215 = tpu.memref_slice %arg5[%dma_wait3A_213, %dma_wait3A_214] : memref<8x2048xf32, #tpu.memory_space<vmem>> -> memref<4x2048xf32, #tpu.memory_space<vmem>>
      %dma_wait3A_216 = arith.constant 0 : i32
      %dma_wait3A_217 = tpu.memref_slice %arg2[%add3A_212, %dma_wait3A_216] : memref<8192x2048xf32, #tpu.memory_space<hbm>> -> memref<4x2048xf32, #tpu.memory_space<hbm>>
      %dma_wait3A_218 = arith.constant 4 : i32
      %dma_wait3A_219 = arith.constant 0 : i32
      %dma_wait3A_220 = tpu.memref_slice %arg5[%dma_wait3A_218, %dma_wait3A_219] : memref<8x2048xf32, #tpu.memory_space<vmem>> -> memref<4x2048xf32, #tpu.memory_space<vmem>>
      %dma_wait3A_221 = arith.constant 0 : i32
      %dma_wait3A_222 = tpu.memref_slice %arg2[%add3A_212, %dma_wait3A_221] : memref<8192x2048xf32, #tpu.memory_space<hbm>> -> memref<4x2048xf32, #tpu.memory_space<hbm>>
      tpu.wait_dma2 semaphore(%arg14 : memref<!tpu.dma_semaphore, #tpu.memory_space<semaphore_mem>>) src(%dma_wait3A_222 : memref<4x2048xf32, #tpu.memory_space<hbm>>) dst(%dma_wait3A_220 : memref<4x2048xf32, #tpu.memory_space<vmem>>)
      %ge3A_223 = arith.constant 2 : i32
      %ge3A_224 = arith.cmpi sge, %add3A_209, %ge3A_223 : i32
      %convert_element_type3A_225 = arith.extui %ge3A_224 : i1 to i32
      %cond3A_226 = arith.constant 0 : i32
      %cond3A_227 = arith.cmpi ne, %convert_element_type3A_225, %cond3A_226 : i32
      scf.if %cond3A_227 {
        %sub3A = arith.constant 8 : i32
        %sub3A_356 = arith.subi %add3A_212, %sub3A : i32
        %dma_wait3A_357 = arith.constant 4 : i32
        %dma_wait3A_358 = arith.constant 0 : i32
        %dma_wait3A_359 = tpu.memref_slice %arg6[%dma_wait3A_357, %dma_wait3A_358] : memref<8x2048xf32, #tpu.memory_space<vmem>> -> memref<4x2048xf32, #tpu.memory_space<vmem>>
        %dma_wait3A_360 = arith.constant 0 : i32
        %dma_wait3A_361 = tpu.memref_slice %arg4[%sub3A_356, %dma_wait3A_360] : memref<8192x2048xf32, #tpu.memory_space<hbm>> -> memref<4x2048xf32, #tpu.memory_space<hbm>>
        %dma_wait3A_362 = arith.constant 0 : i32
        %dma_wait3A_363 = tpu.memref_slice %arg4[%sub3A_356, %dma_wait3A_362] : memref<8192x2048xf32, #tpu.memory_space<hbm>> -> memref<4x2048xf32, #tpu.memory_space<hbm>>
        %dma_wait3A_364 = arith.constant 4 : i32
        %dma_wait3A_365 = arith.constant 0 : i32
        %dma_wait3A_366 = tpu.memref_slice %arg6[%dma_wait3A_364, %dma_wait3A_365] : memref<8x2048xf32, #tpu.memory_space<vmem>> -> memref<4x2048xf32, #tpu.memory_space<vmem>>
        tpu.wait_dma2 semaphore(%arg16 : memref<!tpu.dma_semaphore, #tpu.memory_space<semaphore_mem>>) src(%dma_wait3A_366 : memref<4x2048xf32, #tpu.memory_space<vmem>>) dst(%dma_wait3A_363 : memref<4x2048xf32, #tpu.memory_space<hbm>>)
      } else {
      }
      %mul3A_228 = arith.constant 4 : i32
      %mul3A_229 = arith.muli %add3A_209, %mul3A_228 : i32
      %add3A_230 = arith.constant 0 : i32
      %add3A_231 = arith.addi %mul3A_229, %add3A_230 : i32
      %mul3A_232 = arith.constant 5 : i32
      %mul3A_233 = arith.muli %add3A_231, %mul3A_232 : i32
      %broadcast_in_dim3A_234 = vector.broadcast %mul3A_233 : i32 to vector<16xi32>
      %add3A_235 = arith.constant 0 : i32
      %add3A_236 = vector.broadcast %add3A_235 : i32 to vector<16xi32>
      %add3A_237 = arith.addi %broadcast_in_dim3A_234, %add3A_236 : vector<16xi32>
      %gather3A_238 = tpu.vector_load_idx %arg7[%add3A_237] : memref<1280xf32, #tpu.memory_space<vmem>>[vector<16xi32>], vector<16xf32>,
      %add3A_239 = arith.constant 1 : i32
      %add3A_240 = vector.broadcast %add3A_239 : i32 to vector<16xi32>
      %add3A_241 = arith.addi %broadcast_in_dim3A_234, %add3A_240 : vector<16xi32>
      %gather3A_242 = tpu.vector_load_idx %arg7[%add3A_241] : memref<1280xf32, #tpu.memory_space<vmem>>[vector<16xi32>], vector<16xf32>,
      %add3A_243 = arith.constant 2 : i32
      %add3A_244 = vector.broadcast %add3A_243 : i32 to vector<16xi32>
      %add3A_245 = arith.addi %broadcast_in_dim3A_234, %add3A_244 : vector<16xi32>
      %gather3A_246 = tpu.vector_load_idx %arg7[%add3A_245] : memref<1280xf32, #tpu.memory_space<vmem>>[vector<16xi32>], vector<16xf32>,
      %add3A_247 = arith.constant 3 : i32
      %add3A_248 = vector.broadcast %add3A_247 : i32 to vector<16xi32>
      %add3A_249 = arith.addi %broadcast_in_dim3A_234, %add3A_248 : vector<16xi32>
      %gather3A_250 = tpu.vector_load_idx %arg7[%add3A_249] : memref<1280xf32, #tpu.memory_space<vmem>>[vector<16xi32>], vector<16xf32>,
      %add3A_251 = arith.constant 4 : i32
      %add3A_252 = vector.broadcast %add3A_251 : i32 to vector<16xi32>
      %add3A_253 = arith.addi %broadcast_in_dim3A_234, %add3A_252 : vector<16xi32>
      %gather3A_254 = tpu.vector_load_idx %arg7[%add3A_253] : memref<1280xf32, #tpu.memory_space<vmem>>[vector<16xi32>], vector<16xf32>,
      %mul3A_255 = arith.constant 4 : i32
      %mul3A_256 = arith.muli %add3A_209, %mul3A_255 : i32
      %add3A_257 = arith.constant 1 : i32
      %add3A_258 = arith.addi %mul3A_256, %add3A_257 : i32
      %mul3A_259 = arith.constant 5 : i32
      %mul3A_260 = arith.muli %add3A_258, %mul3A_259 : i32
      %broadcast_in_dim3A_261 = vector.broadcast %mul3A_260 : i32 to vector<16xi32>
      %add3A_262 = arith.constant 0 : i32
      %add3A_263 = vector.broadcast %add3A_262 : i32 to vector<16xi32>
      %add3A_264 = arith.addi %broadcast_in_dim3A_261, %add3A_263 : vector<16xi32>
      %gather3A_265 = tpu.vector_load_idx %arg7[%add3A_264] : memref<1280xf32, #tpu.memory_space<vmem>>[vector<16xi32>], vector<16xf32>,
      %add3A_266 = arith.constant 1 : i32
      %add3A_267 = vector.broadcast %add3A_266 : i32 to vector<16xi32>
      %add3A_268 = arith.addi %broadcast_in_dim3A_261, %add3A_267 : vector<16xi32>
      %gather3A_269 = tpu.vector_load_idx %arg7[%add3A_268] : memref<1280xf32, #tpu.memory_space<vmem>>[vector<16xi32>], vector<16xf32>,
      %add3A_270 = arith.constant 2 : i32
      %add3A_271 = vector.broadcast %add3A_270 : i32 to vector<16xi32>
      %add3A_272 = arith.addi %broadcast_in_dim3A_261, %add3A_271 : vector<16xi32>
      %gather3A_273 = tpu.vector_load_idx %arg7[%add3A_272] : memref<1280xf32, #tpu.memory_space<vmem>>[vector<16xi32>], vector<16xf32>,
      %add3A_274 = arith.constant 3 : i32
      %add3A_275 = vector.broadcast %add3A_274 : i32 to vector<16xi32>
      %add3A_276 = arith.addi %broadcast_in_dim3A_261, %add3A_275 : vector<16xi32>
      %gather3A_277 = tpu.vector_load_idx %arg7[%add3A_276] : memref<1280xf32, #tpu.memory_space<vmem>>[vector<16xi32>], vector<16xf32>,
      %add3A_278 = arith.constant 4 : i32
      %add3A_279 = vector.broadcast %add3A_278 : i32 to vector<16xi32>
      %add3A_280 = arith.addi %broadcast_in_dim3A_261, %add3A_279 : vector<16xi32>
      %gather3A_281 = tpu.vector_load_idx %arg7[%add3A_280] : memref<1280xf32, #tpu.memory_space<vmem>>[vector<16xi32>], vector<16xf32>,
      %mul3A_282 = arith.constant 4 : i32
      %mul3A_283 = arith.muli %add3A_209, %mul3A_282 : i32
      %add3A_284 = arith.constant 2 : i32
      %add3A_285 = arith.addi %mul3A_283, %add3A_284 : i32
      %mul3A_286 = arith.constant 5 : i32
      %mul3A_287 = arith.muli %add3A_285, %mul3A_286 : i32
      %broadcast_in_dim3A_288 = vector.broadcast %mul3A_287 : i32 to vector<16xi32>
      %add3A_289 = arith.constant 0 : i32
      %add3A_290 = vector.broadcast %add3A_289 : i32 to vector<16xi32>
      %add3A_291 = arith.addi %broadcast_in_dim3A_288, %add3A_290 : vector<16xi32>
      %gather3A_292 = tpu.vector_load_idx %arg7[%add3A_291] : memref<1280xf32, #tpu.memory_space<vmem>>[vector<16xi32>], vector<16xf32>,
      %add3A_293 = arith.constant 1 : i32
      %add3A_294 = vector.broadcast %add3A_293 : i32 to vector<16xi32>
      %add3A_295 = arith.addi %broadcast_in_dim3A_288, %add3A_294 : vector<16xi32>
      %gather3A_296 = tpu.vector_load_idx %arg7[%add3A_295] : memref<1280xf32, #tpu.memory_space<vmem>>[vector<16xi32>], vector<16xf32>,
      %add3A_297 = arith.constant 2 : i32
      %add3A_298 = vector.broadcast %add3A_297 : i32 to vector<16xi32>
      %add3A_299 = arith.addi %broadcast_in_dim3A_288, %add3A_298 : vector<16xi32>
      %gather3A_300 = tpu.vector_load_idx %arg7[%add3A_299] : memref<1280xf32, #tpu.memory_space<vmem>>[vector<16xi32>], vector<16xf32>,
      %add3A_301 = arith.constant 3 : i32
      %add3A_302 = vector.broadcast %add3A_301 : i32 to vector<16xi32>
      %add3A_303 = arith.addi %broadcast_in_dim3A_288, %add3A_302 : vector<16xi32>
      %gather3A_304 = tpu.vector_load_idx %arg7[%add3A_303] : memref<1280xf32, #tpu.memory_space<vmem>>[vector<16xi32>], vector<16xf32>,
      %add3A_305 = arith.constant 4 : i32
      %add3A_306 = vector.broadcast %add3A_305 : i32 to vector<16xi32>
      %add3A_307 = arith.addi %broadcast_in_dim3A_288, %add3A_306 : vector<16xi32>
      %gather3A_308 = tpu.vector_load_idx %arg7[%add3A_307] : memref<1280xf32, #tpu.memory_space<vmem>>[vector<16xi32>], vector<16xf32>,
      %mul3A_309 = arith.constant 4 : i32
      %mul3A_310 = arith.muli %add3A_209, %mul3A_309 : i32
      %add3A_311 = arith.constant 3 : i32
      %add3A_312 = arith.addi %mul3A_310, %add3A_311 : i32
      %mul3A_313 = arith.constant 5 : i32
      %mul3A_314 = arith.muli %add3A_312, %mul3A_313 : i32
      %broadcast_in_dim3A_315 = vector.broadcast %mul3A_314 : i32 to vector<16xi32>
      %add3A_316 = arith.constant 0 : i32
      %add3A_317 = vector.broadcast %add3A_316 : i32 to vector<16xi32>
      %add3A_318 = arith.addi %broadcast_in_dim3A_315, %add3A_317 : vector<16xi32>
      %gather3A_319 = tpu.vector_load_idx %arg7[%add3A_318] : memref<1280xf32, #tpu.memory_space<vmem>>[vector<16xi32>], vector<16xf32>,
      %add3A_320 = arith.constant 1 : i32
      %add3A_321 = vector.broadcast %add3A_320 : i32 to vector<16xi32>
      %add3A_322 = arith.addi %broadcast_in_dim3A_315, %add3A_321 : vector<16xi32>
      %gather3A_323 = tpu.vector_load_idx %arg7[%add3A_322] : memref<1280xf32, #tpu.memory_space<vmem>>[vector<16xi32>], vector<16xf32>,
      %add3A_324 = arith.constant 2 : i32
      %add3A_325 = vector.broadcast %add3A_324 : i32 to vector<16xi32>
      %add3A_326 = arith.addi %broadcast_in_dim3A_315, %add3A_325 : vector<16xi32>
      %gather3A_327 = tpu.vector_load_idx %arg7[%add3A_326] : memref<1280xf32, #tpu.memory_space<vmem>>[vector<16xi32>], vector<16xf32>,
      %add3A_328 = arith.constant 3 : i32
      %add3A_329 = vector.broadcast %add3A_328 : i32 to vector<16xi32>
      %add3A_330 = arith.addi %broadcast_in_dim3A_315, %add3A_329 : vector<16xi32>
      %gather3A_331 = tpu.vector_load_idx %arg7[%add3A_330] : memref<1280xf32, #tpu.memory_space<vmem>>[vector<16xi32>], vector<16xf32>,
      %add3A_332 = arith.constant 4 : i32
      %add3A_333 = vector.broadcast %add3A_332 : i32 to vector<16xi32>
      %add3A_334 = arith.addi %broadcast_in_dim3A_315, %add3A_333 : vector<16xi32>
      %gather3A_335 = tpu.vector_load_idx %arg7[%add3A_334] : memref<1280xf32, #tpu.memory_space<vmem>>[vector<16xi32>], vector<16xf32>,
      %parallel_loop3A_336 = arith.constant 0 : i32
      %parallel_loop3A_337 = arith.constant 128 : i32
      %parallel_loop3A_338 = arith.constant 1 : i32
      scf.for %parallel_loop3A_356 = %parallel_loop3A_336 to %parallel_loop3A_337 step %parallel_loop3A_338  : i32 {
        %parallel_loop3A_357 = arith.constant 16 : i32
        %parallel_loop3A_358 = arith.muli %parallel_loop3A_356, %parallel_loop3A_357 : i32
        %parallel_loop3A_359 = arith.index_cast %parallel_loop3A_358 : i32 to index
        %parallel_loop3A_360 = tpu.vector_load %arg8[%parallel_loop3A_359] {strides = array<i32>} : memref<2048xf32, #tpu.memory_space<vmem>>, vector<16xf32>,
        %parallel_loop3A_361 = arith.index_cast %parallel_loop3A_358 : i32 to index
        %parallel_loop3A_362 = tpu.vector_load %arg9[%parallel_loop3A_361] {strides = array<i32>} : memref<2048xf32, #tpu.memory_space<vmem>>, vector<16xf32>,
        %parallel_loop3A_363 = arith.index_cast %parallel_loop3A_358 : i32 to index
        %parallel_loop3A_364 = tpu.vector_load %arg10[%parallel_loop3A_363] {strides = array<i32>} : memref<2048xf32, #tpu.memory_space<vmem>>, vector<16xf32>,
        %parallel_loop3A_365 = arith.index_cast %parallel_loop3A_358 : i32 to index
        %parallel_loop3A_366 = tpu.vector_load %arg11[%parallel_loop3A_365] {strides = array<i32>} : memref<2048xf32, #tpu.memory_space<vmem>>, vector<16xf32>,
        %parallel_loop3A_367 = arith.index_cast %parallel_loop3A_358 : i32 to index
        %parallel_loop3A_368 = tpu.vector_load %arg12[%parallel_loop3A_367] {strides = array<i32>} : memref<2048xi32, #tpu.memory_space<vmem>>, vector<16xi32>,
        %parallel_loop3A_369 = arith.constant 4 : i32
        %parallel_loop3A_370 = vector.broadcast %parallel_loop3A_369 : i32 to vector<16xi32>
        %parallel_loop3A_371 = arith.mulf %gather3A_238, %parallel_loop3A_366 : vector<16xf32>
        %parallel_loop3A_372 = arith.mulf %gather3A_242, %parallel_loop3A_364 : vector<16xf32>
        %parallel_loop3A_373 = arith.addf %parallel_loop3A_371, %parallel_loop3A_372 : vector<16xf32>
        %parallel_loop3A_374 = arith.mulf %gather3A_246, %parallel_loop3A_362 : vector<16xf32>
        %parallel_loop3A_375 = arith.addf %parallel_loop3A_373, %parallel_loop3A_374 : vector<16xf32>
        %parallel_loop3A_376 = arith.mulf %gather3A_250, %parallel_loop3A_360 : vector<16xf32>
        %parallel_loop3A_377 = arith.addf %parallel_loop3A_375, %parallel_loop3A_376 : vector<16xf32>
        %parallel_loop3A_378 = arith.addf %parallel_loop3A_377, %gather3A_254 : vector<16xf32>
        %parallel_loop3A_379 = arith.constant 0x4B400000 : f32
        %parallel_loop3A_380 = vector.broadcast %parallel_loop3A_379 : f32 to vector<16xf32>
        %parallel_loop3A_381 = arith.addf %parallel_loop3A_378, %parallel_loop3A_380 : vector<16xf32>
        %parallel_loop3A_382 = arith.constant 0x4B400000 : f32
        %parallel_loop3A_383 = vector.broadcast %parallel_loop3A_382 : f32 to vector<16xf32>
        %parallel_loop3A_384 = arith.subf %parallel_loop3A_381, %parallel_loop3A_383 : vector<16xf32>
        %parallel_loop3A_385 = arith.subf %parallel_loop3A_378, %parallel_loop3A_384 : vector<16xf32>
        %parallel_loop3A_386 = tpu.bitcast %parallel_loop3A_381 : vector<16xf32> -> vector<16xi32>
        %parallel_loop3A_387 = arith.constant 8388607 : i32
        %parallel_loop3A_388 = vector.broadcast %parallel_loop3A_387 : i32 to vector<16xi32>
        %parallel_loop3A_389 = arith.andi %parallel_loop3A_386, %parallel_loop3A_388 : vector<16xi32>
        %parallel_loop3A_390 = arith.subi %parallel_loop3A_368, %parallel_loop3A_389 : vector<16xi32>
        %parallel_loop3A_391 = arith.constant 1 : i32
        %parallel_loop3A_392 = vector.broadcast %parallel_loop3A_391 : i32 to vector<16xi32>
        %parallel_loop3A_393 = arith.maxsi %parallel_loop3A_390, %parallel_loop3A_392 : vector<16xi32>
        %parallel_loop3A_394 = arith.constant 2047 : i32
        %parallel_loop3A_395 = vector.broadcast %parallel_loop3A_394 : i32 to vector<16xi32>
        %parallel_loop3A_396 = arith.minsi %parallel_loop3A_393, %parallel_loop3A_395 : vector<16xi32>
        %parallel_loop3A_397 = tpu.vector_load_idx %arg5[%parallel_loop3A_370, %parallel_loop3A_396] : memref<8x2048xf32, #tpu.memory_space<vmem>>[vector<16xi32>, vector<16xi32>], vector<16xf32>,
        %parallel_loop3A_398 = arith.constant 1 : i32
        %parallel_loop3A_399 = vector.broadcast %parallel_loop3A_398 : i32 to vector<16xi32>
        %parallel_loop3A_400 = arith.subi %parallel_loop3A_396, %parallel_loop3A_399 : vector<16xi32>
        %parallel_loop3A_401 = tpu.vector_load_idx %arg5[%parallel_loop3A_370, %parallel_loop3A_400] : memref<8x2048xf32, #tpu.memory_space<vmem>>[vector<16xi32>, vector<16xi32>], vector<16xf32>,
        %parallel_loop3A_402 = arith.subf %parallel_loop3A_401, %parallel_loop3A_397 : vector<16xf32>
        %parallel_loop3A_403 = arith.mulf %parallel_loop3A_385, %parallel_loop3A_402 : vector<16xf32>
        %parallel_loop3A_404 = arith.addf %parallel_loop3A_397, %parallel_loop3A_403 : vector<16xf32>
        %parallel_loop3A_405 = arith.constant 4 : i32
        %parallel_loop3A_406 = arith.index_cast %parallel_loop3A_405 : i32 to index
        %parallel_loop3A_407 = arith.index_cast %parallel_loop3A_358 : i32 to index
        %parallel_loop3A_408 = tpu.vector_load %arg6[%parallel_loop3A_406, %parallel_loop3A_407] {strides = array<i32>} : memref<8x2048xf32, #tpu.memory_space<vmem>>, vector<16xf32>,
        tpu.vector_store %arg6[%parallel_loop3A_406, %parallel_loop3A_407], %parallel_loop3A_404 {strides = array<i32>} : memref<8x2048xf32, #tpu.memory_space<vmem>>, vector<16xf32>,
        %parallel_loop3A_409 = arith.constant 5 : i32
        %parallel_loop3A_410 = vector.broadcast %parallel_loop3A_409 : i32 to vector<16xi32>
        %parallel_loop3A_411 = arith.mulf %gather3A_265, %parallel_loop3A_366 : vector<16xf32>
        %parallel_loop3A_412 = arith.mulf %gather3A_269, %parallel_loop3A_364 : vector<16xf32>
        %parallel_loop3A_413 = arith.addf %parallel_loop3A_411, %parallel_loop3A_412 : vector<16xf32>
        %parallel_loop3A_414 = arith.mulf %gather3A_273, %parallel_loop3A_362 : vector<16xf32>
        %parallel_loop3A_415 = arith.addf %parallel_loop3A_413, %parallel_loop3A_414 : vector<16xf32>
        %parallel_loop3A_416 = arith.mulf %gather3A_277, %parallel_loop3A_360 : vector<16xf32>
        %parallel_loop3A_417 = arith.addf %parallel_loop3A_415, %parallel_loop3A_416 : vector<16xf32>
        %parallel_loop3A_418 = arith.addf %parallel_loop3A_417, %gather3A_281 : vector<16xf32>
        %parallel_loop3A_419 = arith.constant 0x4B400000 : f32
        %parallel_loop3A_420 = vector.broadcast %parallel_loop3A_419 : f32 to vector<16xf32>
        %parallel_loop3A_421 = arith.addf %parallel_loop3A_418, %parallel_loop3A_420 : vector<16xf32>
        %parallel_loop3A_422 = arith.constant 0x4B400000 : f32
        %parallel_loop3A_423 = vector.broadcast %parallel_loop3A_422 : f32 to vector<16xf32>
        %parallel_loop3A_424 = arith.subf %parallel_loop3A_421, %parallel_loop3A_423 : vector<16xf32>
        %parallel_loop3A_425 = arith.subf %parallel_loop3A_418, %parallel_loop3A_424 : vector<16xf32>
        %parallel_loop3A_426 = tpu.bitcast %parallel_loop3A_421 : vector<16xf32> -> vector<16xi32>
        %parallel_loop3A_427 = arith.constant 8388607 : i32
        %parallel_loop3A_428 = vector.broadcast %parallel_loop3A_427 : i32 to vector<16xi32>
        %parallel_loop3A_429 = arith.andi %parallel_loop3A_426, %parallel_loop3A_428 : vector<16xi32>
        %parallel_loop3A_430 = arith.subi %parallel_loop3A_368, %parallel_loop3A_429 : vector<16xi32>
        %parallel_loop3A_431 = arith.constant 1 : i32
        %parallel_loop3A_432 = vector.broadcast %parallel_loop3A_431 : i32 to vector<16xi32>
        %parallel_loop3A_433 = arith.maxsi %parallel_loop3A_430, %parallel_loop3A_432 : vector<16xi32>
        %parallel_loop3A_434 = arith.constant 2047 : i32
        %parallel_loop3A_435 = vector.broadcast %parallel_loop3A_434 : i32 to vector<16xi32>
        %parallel_loop3A_436 = arith.minsi %parallel_loop3A_433, %parallel_loop3A_435 : vector<16xi32>
        %parallel_loop3A_437 = tpu.vector_load_idx %arg5[%parallel_loop3A_410, %parallel_loop3A_436] : memref<8x2048xf32, #tpu.memory_space<vmem>>[vector<16xi32>, vector<16xi32>], vector<16xf32>,
        %parallel_loop3A_438 = arith.constant 1 : i32
        %parallel_loop3A_439 = vector.broadcast %parallel_loop3A_438 : i32 to vector<16xi32>
        %parallel_loop3A_440 = arith.subi %parallel_loop3A_436, %parallel_loop3A_439 : vector<16xi32>
        %parallel_loop3A_441 = tpu.vector_load_idx %arg5[%parallel_loop3A_410, %parallel_loop3A_440] : memref<8x2048xf32, #tpu.memory_space<vmem>>[vector<16xi32>, vector<16xi32>], vector<16xf32>,
        %parallel_loop3A_442 = arith.subf %parallel_loop3A_441, %parallel_loop3A_437 : vector<16xf32>
        %parallel_loop3A_443 = arith.mulf %parallel_loop3A_425, %parallel_loop3A_442 : vector<16xf32>
        %parallel_loop3A_444 = arith.addf %parallel_loop3A_437, %parallel_loop3A_443 : vector<16xf32>
        %parallel_loop3A_445 = arith.constant 5 : i32
        %parallel_loop3A_446 = arith.index_cast %parallel_loop3A_445 : i32 to index
        %parallel_loop3A_447 = arith.index_cast %parallel_loop3A_358 : i32 to index
        %parallel_loop3A_448 = tpu.vector_load %arg6[%parallel_loop3A_446, %parallel_loop3A_447] {strides = array<i32>} : memref<8x2048xf32, #tpu.memory_space<vmem>>, vector<16xf32>,
        tpu.vector_store %arg6[%parallel_loop3A_446, %parallel_loop3A_447], %parallel_loop3A_444 {strides = array<i32>} : memref<8x2048xf32, #tpu.memory_space<vmem>>, vector<16xf32>,
        %parallel_loop3A_449 = arith.constant 6 : i32
        %parallel_loop3A_450 = vector.broadcast %parallel_loop3A_449 : i32 to vector<16xi32>
        %parallel_loop3A_451 = arith.mulf %gather3A_292, %parallel_loop3A_366 : vector<16xf32>
        %parallel_loop3A_452 = arith.mulf %gather3A_296, %parallel_loop3A_364 : vector<16xf32>
        %parallel_loop3A_453 = arith.addf %parallel_loop3A_451, %parallel_loop3A_452 : vector<16xf32>
        %parallel_loop3A_454 = arith.mulf %gather3A_300, %parallel_loop3A_362 : vector<16xf32>
        %parallel_loop3A_455 = arith.addf %parallel_loop3A_453, %parallel_loop3A_454 : vector<16xf32>
        %parallel_loop3A_456 = arith.mulf %gather3A_304, %parallel_loop3A_360 : vector<16xf32>
        %parallel_loop3A_457 = arith.addf %parallel_loop3A_455, %parallel_loop3A_456 : vector<16xf32>
        %parallel_loop3A_458 = arith.addf %parallel_loop3A_457, %gather3A_308 : vector<16xf32>
        %parallel_loop3A_459 = arith.constant 0x4B400000 : f32
        %parallel_loop3A_460 = vector.broadcast %parallel_loop3A_459 : f32 to vector<16xf32>
        %parallel_loop3A_461 = arith.addf %parallel_loop3A_458, %parallel_loop3A_460 : vector<16xf32>
        %parallel_loop3A_462 = arith.constant 0x4B400000 : f32
        %parallel_loop3A_463 = vector.broadcast %parallel_loop3A_462 : f32 to vector<16xf32>
        %parallel_loop3A_464 = arith.subf %parallel_loop3A_461, %parallel_loop3A_463 : vector<16xf32>
        %parallel_loop3A_465 = arith.subf %parallel_loop3A_458, %parallel_loop3A_464 : vector<16xf32>
        %parallel_loop3A_466 = tpu.bitcast %parallel_loop3A_461 : vector<16xf32> -> vector<16xi32>
        %parallel_loop3A_467 = arith.constant 8388607 : i32
        %parallel_loop3A_468 = vector.broadcast %parallel_loop3A_467 : i32 to vector<16xi32>
        %parallel_loop3A_469 = arith.andi %parallel_loop3A_466, %parallel_loop3A_468 : vector<16xi32>
        %parallel_loop3A_470 = arith.subi %parallel_loop3A_368, %parallel_loop3A_469 : vector<16xi32>
        %parallel_loop3A_471 = arith.constant 1 : i32
        %parallel_loop3A_472 = vector.broadcast %parallel_loop3A_471 : i32 to vector<16xi32>
        %parallel_loop3A_473 = arith.maxsi %parallel_loop3A_470, %parallel_loop3A_472 : vector<16xi32>
        %parallel_loop3A_474 = arith.constant 2047 : i32
        %parallel_loop3A_475 = vector.broadcast %parallel_loop3A_474 : i32 to vector<16xi32>
        %parallel_loop3A_476 = arith.minsi %parallel_loop3A_473, %parallel_loop3A_475 : vector<16xi32>
        %parallel_loop3A_477 = tpu.vector_load_idx %arg5[%parallel_loop3A_450, %parallel_loop3A_476] : memref<8x2048xf32, #tpu.memory_space<vmem>>[vector<16xi32>, vector<16xi32>], vector<16xf32>,
        %parallel_loop3A_478 = arith.constant 1 : i32
        %parallel_loop3A_479 = vector.broadcast %parallel_loop3A_478 : i32 to vector<16xi32>
        %parallel_loop3A_480 = arith.subi %parallel_loop3A_476, %parallel_loop3A_479 : vector<16xi32>
        %parallel_loop3A_481 = tpu.vector_load_idx %arg5[%parallel_loop3A_450, %parallel_loop3A_480] : memref<8x2048xf32, #tpu.memory_space<vmem>>[vector<16xi32>, vector<16xi32>], vector<16xf32>,
        %parallel_loop3A_482 = arith.subf %parallel_loop3A_481, %parallel_loop3A_477 : vector<16xf32>
        %parallel_loop3A_483 = arith.mulf %parallel_loop3A_465, %parallel_loop3A_482 : vector<16xf32>
        %parallel_loop3A_484 = arith.addf %parallel_loop3A_477, %parallel_loop3A_483 : vector<16xf32>
        %parallel_loop3A_485 = arith.constant 6 : i32
        %parallel_loop3A_486 = arith.index_cast %parallel_loop3A_485 : i32 to index
        %parallel_loop3A_487 = arith.index_cast %parallel_loop3A_358 : i32 to index
        %parallel_loop3A_488 = tpu.vector_load %arg6[%parallel_loop3A_486, %parallel_loop3A_487] {strides = array<i32>} : memref<8x2048xf32, #tpu.memory_space<vmem>>, vector<16xf32>,
        tpu.vector_store %arg6[%parallel_loop3A_486, %parallel_loop3A_487], %parallel_loop3A_484 {strides = array<i32>} : memref<8x2048xf32, #tpu.memory_space<vmem>>, vector<16xf32>,
        %parallel_loop3A_489 = arith.constant 7 : i32
        %parallel_loop3A_490 = vector.broadcast %parallel_loop3A_489 : i32 to vector<16xi32>
        %parallel_loop3A_491 = arith.mulf %gather3A_319, %parallel_loop3A_366 : vector<16xf32>
        %parallel_loop3A_492 = arith.mulf %gather3A_323, %parallel_loop3A_364 : vector<16xf32>
        %parallel_loop3A_493 = arith.addf %parallel_loop3A_491, %parallel_loop3A_492 : vector<16xf32>
        %parallel_loop3A_494 = arith.mulf %gather3A_327, %parallel_loop3A_362 : vector<16xf32>
        %parallel_loop3A_495 = arith.addf %parallel_loop3A_493, %parallel_loop3A_494 : vector<16xf32>
        %parallel_loop3A_496 = arith.mulf %gather3A_331, %parallel_loop3A_360 : vector<16xf32>
        %parallel_loop3A_497 = arith.addf %parallel_loop3A_495, %parallel_loop3A_496 : vector<16xf32>
        %parallel_loop3A_498 = arith.addf %parallel_loop3A_497, %gather3A_335 : vector<16xf32>
        %parallel_loop3A_499 = arith.constant 0x4B400000 : f32
        %parallel_loop3A_500 = vector.broadcast %parallel_loop3A_499 : f32 to vector<16xf32>
        %parallel_loop3A_501 = arith.addf %parallel_loop3A_498, %parallel_loop3A_500 : vector<16xf32>
        %parallel_loop3A_502 = arith.constant 0x4B400000 : f32
        %parallel_loop3A_503 = vector.broadcast %parallel_loop3A_502 : f32 to vector<16xf32>
        %parallel_loop3A_504 = arith.subf %parallel_loop3A_501, %parallel_loop3A_503 : vector<16xf32>
        %parallel_loop3A_505 = arith.subf %parallel_loop3A_498, %parallel_loop3A_504 : vector<16xf32>
        %parallel_loop3A_506 = tpu.bitcast %parallel_loop3A_501 : vector<16xf32> -> vector<16xi32>
        %parallel_loop3A_507 = arith.constant 8388607 : i32
        %parallel_loop3A_508 = vector.broadcast %parallel_loop3A_507 : i32 to vector<16xi32>
        %parallel_loop3A_509 = arith.andi %parallel_loop3A_506, %parallel_loop3A_508 : vector<16xi32>
        %parallel_loop3A_510 = arith.subi %parallel_loop3A_368, %parallel_loop3A_509 : vector<16xi32>
        %parallel_loop3A_511 = arith.constant 1 : i32
        %parallel_loop3A_512 = vector.broadcast %parallel_loop3A_511 : i32 to vector<16xi32>
        %parallel_loop3A_513 = arith.maxsi %parallel_loop3A_510, %parallel_loop3A_512 : vector<16xi32>
        %parallel_loop3A_514 = arith.constant 2047 : i32
        %parallel_loop3A_515 = vector.broadcast %parallel_loop3A_514 : i32 to vector<16xi32>
        %parallel_loop3A_516 = arith.minsi %parallel_loop3A_513, %parallel_loop3A_515 : vector<16xi32>
        %parallel_loop3A_517 = tpu.vector_load_idx %arg5[%parallel_loop3A_490, %parallel_loop3A_516] : memref<8x2048xf32, #tpu.memory_space<vmem>>[vector<16xi32>, vector<16xi32>], vector<16xf32>,
        %parallel_loop3A_518 = arith.constant 1 : i32
        %parallel_loop3A_519 = vector.broadcast %parallel_loop3A_518 : i32 to vector<16xi32>
        %parallel_loop3A_520 = arith.subi %parallel_loop3A_516, %parallel_loop3A_519 : vector<16xi32>
        %parallel_loop3A_521 = tpu.vector_load_idx %arg5[%parallel_loop3A_490, %parallel_loop3A_520] : memref<8x2048xf32, #tpu.memory_space<vmem>>[vector<16xi32>, vector<16xi32>], vector<16xf32>,
        %parallel_loop3A_522 = arith.subf %parallel_loop3A_521, %parallel_loop3A_517 : vector<16xf32>
        %parallel_loop3A_523 = arith.mulf %parallel_loop3A_505, %parallel_loop3A_522 : vector<16xf32>
        %parallel_loop3A_524 = arith.addf %parallel_loop3A_517, %parallel_loop3A_523 : vector<16xf32>
        %parallel_loop3A_525 = arith.constant 7 : i32
        %parallel_loop3A_526 = arith.index_cast %parallel_loop3A_525 : i32 to index
        %parallel_loop3A_527 = arith.index_cast %parallel_loop3A_358 : i32 to index
        %parallel_loop3A_528 = tpu.vector_load %arg6[%parallel_loop3A_526, %parallel_loop3A_527] {strides = array<i32>} : memref<8x2048xf32, #tpu.memory_space<vmem>>, vector<16xf32>,
        tpu.vector_store %arg6[%parallel_loop3A_526, %parallel_loop3A_527], %parallel_loop3A_524 {strides = array<i32>} : memref<8x2048xf32, #tpu.memory_space<vmem>>, vector<16xf32>,
      } {sc.loop_unroll_factor = 1 : i64, sc.parallel_access}
      %dma_start3A_339 = arith.constant 4 : i32
      %dma_start3A_340 = arith.constant 0 : i32
      %dma_start3A_341 = tpu.memref_slice %arg6[%dma_start3A_339, %dma_start3A_340] : memref<8x2048xf32, #tpu.memory_space<vmem>> -> memref<4x2048xf32, #tpu.memory_space<vmem>>
      %dma_start3A_342 = arith.constant 0 : i32
      %dma_start3A_343 = tpu.memref_slice %arg4[%add3A_212, %dma_start3A_342] : memref<8192x2048xf32, #tpu.memory_space<hbm>> -> memref<4x2048xf32, #tpu.memory_space<hbm>>
      %dma_start3A_344 = arith.constant 0 : i32
      %dma_start3A_345 = tpu.memref_slice %arg4[%add3A_212, %dma_start3A_344] : memref<8192x2048xf32, #tpu.memory_space<hbm>> -> memref<4x2048xf32, #tpu.memory_space<hbm>>
      %dma_start3A_346 = arith.constant 4 : i32
      %dma_start3A_347 = arith.constant 0 : i32
      %dma_start3A_348 = tpu.memref_slice %arg6[%dma_start3A_346, %dma_start3A_347] : memref<8x2048xf32, #tpu.memory_space<vmem>> -> memref<4x2048xf32, #tpu.memory_space<vmem>>
      tpu.enqueue_dma source(%dma_start3A_348 : memref<4x2048xf32, #tpu.memory_space<vmem>>) target(%dma_start3A_345 : memref<4x2048xf32, #tpu.memory_space<hbm>>) target_semaphore(%arg16 : memref<!tpu.dma_semaphore, #tpu.memory_space<semaphore_mem>>)
      %add3A_349 = arith.constant 2 : i32
      %add3A_350 = arith.addi %add3A_209, %add3A_349 : i32
      %lt3A_351 = arith.constant 64 : i32
      %lt3A_352 = arith.cmpi slt, %add3A_350, %lt3A_351 : i32
      %convert_element_type3A_353 = arith.extui %lt3A_352 : i1 to i32
      %cond3A_354 = arith.constant 0 : i32
      %cond3A_355 = arith.cmpi ne, %convert_element_type3A_353, %cond3A_354 : i32
      scf.if %cond3A_355 {
        %add3A_356 = arith.constant 8 : i32
        %add3A_357 = arith.addi %add3A_212, %add3A_356 : i32
        %dma_start3A_358 = arith.constant 4 : i32
        %dma_start3A_359 = arith.constant 0 : i32
        %dma_start3A_360 = tpu.memref_slice %arg5[%dma_start3A_358, %dma_start3A_359] : memref<8x2048xf32, #tpu.memory_space<vmem>> -> memref<4x2048xf32, #tpu.memory_space<vmem>>
        %dma_start3A_361 = arith.constant 0 : i32
        %dma_start3A_362 = tpu.memref_slice %arg2[%add3A_357, %dma_start3A_361] : memref<8192x2048xf32, #tpu.memory_space<hbm>> -> memref<4x2048xf32, #tpu.memory_space<hbm>>
        %dma_start3A_363 = arith.constant 4 : i32
        %dma_start3A_364 = arith.constant 0 : i32
        %dma_start3A_365 = tpu.memref_slice %arg5[%dma_start3A_363, %dma_start3A_364] : memref<8x2048xf32, #tpu.memory_space<vmem>> -> memref<4x2048xf32, #tpu.memory_space<vmem>>
        %dma_start3A_366 = arith.constant 0 : i32
        %dma_start3A_367 = tpu.memref_slice %arg2[%add3A_357, %dma_start3A_366] : memref<8192x2048xf32, #tpu.memory_space<hbm>> -> memref<4x2048xf32, #tpu.memory_space<hbm>>
        tpu.enqueue_dma source(%dma_start3A_367 : memref<4x2048xf32, #tpu.memory_space<hbm>>) target(%dma_start3A_365 : memref<4x2048xf32, #tpu.memory_space<vmem>>) target_semaphore(%arg14 : memref<!tpu.dma_semaphore, #tpu.memory_space<semaphore_mem>>)
      } else {
      }
    }
    %scan3A_37 = arith.constant 32 : i32
    %add3A_38 = arith.constant 0 : i32
    %add3A_39 = arith.addi %mul3A_2, %add3A_38 : i32
    %dma_wait3A = arith.constant 0 : i32
    %dma_wait3A_40 = arith.constant 0 : i32
    %dma_wait3A_41 = tpu.memref_slice %arg6[%dma_wait3A, %dma_wait3A_40] : memref<8x2048xf32, #tpu.memory_space<vmem>> -> memref<4x2048xf32, #tpu.memory_space<vmem>>
    %dma_wait3A_42 = arith.constant 0 : i32
    %dma_wait3A_43 = tpu.memref_slice %arg4[%add3A_39, %dma_wait3A_42] : memref<8192x2048xf32, #tpu.memory_space<hbm>> -> memref<4x2048xf32, #tpu.memory_space<hbm>>
    %dma_wait3A_44 = arith.constant 0 : i32
    %dma_wait3A_45 = tpu.memref_slice %arg4[%add3A_39, %dma_wait3A_44] : memref<8192x2048xf32, #tpu.memory_space<hbm>> -> memref<4x2048xf32, #tpu.memory_space<hbm>>
    %dma_wait3A_46 = arith.constant 0 : i32
    %dma_wait3A_47 = arith.constant 0 : i32
    %dma_wait3A_48 = tpu.memref_slice %arg6[%dma_wait3A_46, %dma_wait3A_47] : memref<8x2048xf32, #tpu.memory_space<vmem>> -> memref<4x2048xf32, #tpu.memory_space<vmem>>
    tpu.wait_dma2 semaphore(%arg15 : memref<!tpu.dma_semaphore, #tpu.memory_space<semaphore_mem>>) src(%dma_wait3A_48 : memref<4x2048xf32, #tpu.memory_space<vmem>>) dst(%dma_wait3A_45 : memref<4x2048xf32, #tpu.memory_space<hbm>>)
    %add3A_49 = arith.constant 4 : i32
    %add3A_50 = arith.addi %mul3A_2, %add3A_49 : i32
    %dma_wait3A_51 = arith.constant 4 : i32
    %dma_wait3A_52 = arith.constant 0 : i32
    %dma_wait3A_53 = tpu.memref_slice %arg6[%dma_wait3A_51, %dma_wait3A_52] : memref<8x2048xf32, #tpu.memory_space<vmem>> -> memref<4x2048xf32, #tpu.memory_space<vmem>>
    %dma_wait3A_54 = arith.constant 0 : i32
    %dma_wait3A_55 = tpu.memref_slice %arg4[%add3A_50, %dma_wait3A_54] : memref<8192x2048xf32, #tpu.memory_space<hbm>> -> memref<4x2048xf32, #tpu.memory_space<hbm>>
    %dma_wait3A_56 = arith.constant 0 : i32
    %dma_wait3A_57 = tpu.memref_slice %arg4[%add3A_50, %dma_wait3A_56] : memref<8192x2048xf32, #tpu.memory_space<hbm>> -> memref<4x2048xf32, #tpu.memory_space<hbm>>
    %dma_wait3A_58 = arith.constant 4 : i32
    %dma_wait3A_59 = arith.constant 0 : i32
    %dma_wait3A_60 = tpu.memref_slice %arg6[%dma_wait3A_58, %dma_wait3A_59] : memref<8x2048xf32, #tpu.memory_space<vmem>> -> memref<4x2048xf32, #tpu.memory_space<vmem>>
    tpu.wait_dma2 semaphore(%arg16 : memref<!tpu.dma_semaphore, #tpu.memory_space<semaphore_mem>>) src(%dma_wait3A_60 : memref<4x2048xf32, #tpu.memory_space<vmem>>) dst(%dma_wait3A_57 : memref<4x2048xf32, #tpu.memory_space<hbm>>)
    return
  }
}

</mosaic_0001>

<sc_bundles>
// kernel: kernel.3.cloned.1.call-start
scs
__scs_entry_jumppad:
0x0: {  	(pc) =	sbr.rel $0x88, $3  }
0x1: {  	(tag) =	ssettag $0x0;
	lr =	simm.s32 $0x1  }
0x2: {  	[smem:$0x3F9F] =	sst lr;
	_ =	strace $0xD0000000  }
0x3: {  	_ = 	snop  }
0x4: {  	_ = 	snop  }
0x5: {  	_ = 	snop  }
0x6: {  	_ = 	snop  }
0x7: {  	_ = 	snop  }
__scs_overlays_trampoline_lowered:
0x8: {  	[smem:$0x3FAE] =	sst s0  }
0x9: {  	[smem:$0x3FAF] =	sst s1  }
0xa: {  	[smem:$0x3FB0] =	sst s2  }
0xb: {  	[smem:$0x3FB1] =	sst s3  }
0xc: {  	[smem:$0x3FB2] =	sst s4  }
0xd: {  	[smem:$0x3FB3] =	sst s5  }
0xe: {  	[smem:$0x3FB4] =	sst s6  }
0xf: {  	[smem:$0x3FB5] =	sst s7  }
0x10: {  	[smem:$0x3FB6] =	sst s8  }
0x11: {  	[smem:$0x3FB7] =	sst s9;
	s0 =	simm.s32 @!p0 $0x0  }
0x12: {  	s1 =	sld [smem:$0x3F9D];
	s0 =	simm.s32 @p0 $0x1  }
0x13: {  	[smem:$0x3FB8] =	sst s0;
	s0 =	simm.s32 @!p1 $0x0  }
0x14: {  	s2 =	sld [smem:$0x3F9C];
	s0 =	simm.s32 @p1 $0x1  }
0x15: {  	[smem:$0x3FB9] =	sst s0;
	s0 =	simm.s32 @!p2 $0x0  }
0x16: {  	s3 =	sld [smem:$0x3FDB];
	s0 =	simm.s32 @p2 $0x1  }
0x17: {  	s4 =	simm.s32 $0x1BF5;
	[smem:$0x3FBB] =	sst s0  }
0x18: {  	s0 =	sld [smem:$0x3F9E];
	_ =	swait.ge [sflag:s4], $0x0  }
0x19: {  	s7 =	sld [smem:$0x3F9F]  }
0x1a: {  	s8 =	sadd.s32 $0xFFFFE003, lr  }
0x1b: {  	s9 =	sadd.s32 $0xFFFFFEF7, lr;
	s5 =	simm.s32 $0xFFFFFFFF;
	p2 =	slt.u32 s8, $0xFFFFF086  }
0x1c: {  	p1 =	slt.u32 s9, $0xF7A;
	s5 =	simm.s32 @!p2 $0x0  }
0x1d: {  	s5 =	simm.s32 @p1 $0x1;
	p0 =	seq.s32 s7, s2  }
0x1e: {  	s7 =	smul.u32 @!p0 $0xF7A, s2;
	p2 =	seq.s32 @!p0 s5, $0x0  }
0x1f: {  	s9 =	smul.u32 $0xF7A, s1;
	s8 =	simm.s32 @!p0 $0x1BF5;
	p2 =	por !p2, p0  }
0x20: {  	[sflag:s8] =	ssyncset.s32 @!p0 $0xFFFFF086;
	s6 =	sadd.s32 @!p0 s3, s7;
	s7 =	simm.s32 @!p0 $0x108  }
0x21: {  	s3 =	sadd.s32 s3, s9;
	s6 =	sadd.s32 @!p0 $0x88, s6;
	s7 =	simm.s32 @p2 $0x1082  }
0x22: {  	[simem:s7], [sflag:s8] =	dma.local @!p0 [hbm:s6], $0xF7A  }
0x23: {  	s9 =	sor.u32 $0xD0000000, s2;
	s6 =	simm.s32 $0x108;
	_ =	swait.ge @!p0 [sflag:s8], $0x0  }
0x24: {  	s3 =	sadd.s32 $0x88, s3;
	s6 =	simm.s32 @!p1 $0x1082;
	[sflag:s4] =	ssyncset.s32 $0xFFFFF086  }
0x25: {  	[simem:s6], [sflag:s4] =	dma.local [hbm:s3], $0xF7A  }
0x26: {  	[smem:$0x3F9F] =	sst s1;
	(tag) =	ssettag s2;
	_ =	strace s9  }
0x27: {  	s1 =	sld [smem:$0x3FAF]  }
0x28: {  	s2 =	sld [smem:$0x3FB0]  }
0x29: {  	s4 =	sld [smem:$0x3FB2]  }
0x2a: {  	p0 =	seq.s32 s5, $0x0;
	s5 =	sld [smem:$0x3FB3]  }
0x2b: {  	s6 =	sld [smem:$0x3FB4]  }
0x2c: {  	s7 =	sld [smem:$0x3FB5]  }
0x2d: {  	s3 =	simm.s32 $0x108;
	s8 =	sld [smem:$0x3FB6]  }
0x2e: {  	s3 =	simm.s32 @!p0 $0x1082;
	s9 =	sld [smem:$0x3FB7]  }
0x2f: {  	lr =	sadd.s32 s0, s3;
	s0 =	sld [smem:$0x3FAE]  }
0x30: {  	s3 =	sld [smem:$0x3FB1]  }
0x31: {  	[smem:$0x3FBA] =	sst s10  }
0x32: {  	s10 =	sld [smem:$0x3FB8];
	_ =	sdelay $0x3  }
0x33: {  	p0 =	seq.s32 s10, $0x1;
	s10 =	sld [smem:$0x3FBA];
	_ =	sdelay $0x3  }
0x34: {  	[smem:$0x3FBA] =	sst s10  }
0x35: {  	s10 =	sld [smem:$0x3FB9];
	_ =	sdelay $0x3  }
0x36: {  	p1 =	seq.s32 s10, $0x1;
	s10 =	sld [smem:$0x3FBA];
	_ =	sdelay $0x3  }
0x37: {  	[smem:$0x3FBA] =	sst s10  }
0x38: {  	s10 =	sld [smem:$0x3FBB]  }
0x39: {  	_ = 	snop;
	(pc) =	sbr.ind lr, $3  }
0x3a: {  	_ = 	snop  }
0x3b: {  	_ = 	snop  }
0x3c: {  	p2 =	seq.s32 s10, $0x1;
	s10 =	sld [smem:$0x3FBA]  }
0x3d: {  	_ =	shalt  }
0x3e: {  	_ =	shalt  }
0x3f: {  	_ =	shalt  }
0x40: {  	_ =	shalt  }
0x41: {  	_ =	shalt  }
0x42: {  	_ =	shalt  }
0x43: {  	_ =	shalt  }
0x44: {  	_ =	shalt  }
0x45: {  	_ =	shalt  }
0x46: {  	_ =	shalt  }
0x47: {  	_ =	shalt  }
0x48: {  	_ =	shalt  }
0x49: {  	_ =	shalt  }
0x4a: {  	_ =	shalt  }
0x4b: {  	_ =	shalt  }
0x4c: {  	_ =	shalt  }
0x4d: {  	_ =	shalt  }
0x4e: {  	_ =	shalt  }
0x4f: {  	_ =	shalt  }
0x50: {  	_ =	shalt  }
0x51: {  	_ =	shalt  }
0x52: {  	_ =	shalt  }
0x53: {  	_ =	shalt  }
0x54: {  	_ =	shalt  }
0x55: {  	_ =	shalt  }
0x56: {  	_ =	shalt  }
0x57: {  	_ =	shalt  }
0x58: {  	_ =	shalt  }
0x59: {  	_ =	shalt  }
0x5a: {  	_ =	shalt  }
0x5b: {  	_ =	shalt  }
0x5c: {  	_ =	shalt  }
0x5d: {  	_ =	shalt  }
0x5e: {  	_ =	shalt  }
0x5f: {  	_ =	shalt  }
0x60: {  	_ =	shalt  }
0x61: {  	_ =	shalt  }
0x62: {  	_ =	shalt  }
0x63: {  	_ =	shalt  }
0x64: {  	_ =	shalt  }
0x65: {  	_ =	shalt  }
0x66: {  	_ =	shalt  }
0x67: {  	_ =	shalt  }
0x68: {  	_ =	shalt  }
0x69: {  	_ =	shalt  }
0x6a: {  	_ =	shalt  }
0x6b: {  	_ =	shalt  }
0x6c: {  	_ =	shalt  }
0x6d: {  	_ =	shalt  }
0x6e: {  	_ =	shalt  }
0x6f: {  	_ =	shalt  }
0x70: {  	_ =	shalt  }
0x71: {  	_ =	shalt  }
0x72: {  	_ =	shalt  }
0x73: {  	_ =	shalt  }
0x74: {  	_ =	shalt  }
0x75: {  	_ =	shalt  }
0x76: {  	_ =	shalt  }
0x77: {  	_ =	shalt  }
0x78: {  	_ =	shalt  }
0x79: {  	_ =	shalt  }
0x7a: {  	_ =	shalt  }
0x7b: {  	_ =	shalt  }
0x7c: {  	_ =	shalt  }
0x7d: {  	_ =	shalt  }
0x7e: {  	_ =	shalt  }
0x7f: {  	_ =	shalt  }
0x80: {  	_ =	shalt  }
0x81: {  	_ =	shalt  }
0x82: {  	_ =	shalt  }
0x83: {  	_ =	shalt  }
0x84: {  	_ =	shalt  }
0x85: {  	_ =	shalt  }
0x86: {  	_ =	shalt  }
0x87: {  	_ =	shalt  }
.Lfunc_end0:
.L_simem_size_0:
called_computation_lowered:
.L_overlay_start_0:
0x88: {  	s2 =	sld [smem:$0x3FD9]  }
0x89: {  	s3 =	sld [smem:$0x3FFE];
	_ =	sdelay $0x1  }
0x8a: {  	s1 =	srdreg.scid  }
0x8b: {  	s0 =	sand.u32 $0x1, s1  }
0x8c: {  	s17 =	sshll.u32 s0, $0xA;
	s2 =	sadd.s32 s3, s2  }
0x8d: {  	s2 =	sadd.s32 s2, s17  }
0x8e: {  	[smem:$0x3FC6] =	sst s2  }
0x8f: {  	_ = 	snop  }
0x90: {  	s2 =	sld [smem:$0x3FC9]  }
0x91: {  	s18 =	sld [smem:$0x3FD0];
	(tm) =	ssettm $0x1  }
0x92: {  	s4 =	sld [smem:$0x3FFB];
	_ =	sdelay $0x3  }
0x93: {  	_ =	strace s4  }
0x94: {  	s4 =	sld [smem:$0x3FFC];
	_ =	sdelay $0x3  }
0x95: {  	_ =	strace s4  }
0x96: {  	s4 =	sld [smem:$0x3FFD];
	_ =	sdelay $0x3  }
0x97: {  	_ =	strace s4  }
0x98: {  	_ =	strace $0x8FFFFFFF  }
0x99: {  	s19 =	sld [smem:$0x3FDB];
	_ =	sdelay $0x1  }
0x9a: {  	s5 =	simm.s32 $_scs_section_size  }
0x9b: {  	s6 =	simm.s32 $_size__tile_overlayer_lowered;
	s7 =	simm.s32 $_tile_overlayer_lowered  }
0x9c: {  	s22 =	simm.s32 $0x1BFF;
	s21 =	sshll.u32 s7, $0x1;
	s4 =	sadd.s32 s5, s19  }
0x9d: {  	s8 =	simm.s32 $0x0;
	s20 =	sshll.u32 s6, $0x1;
	s6 =	sadd.s32 s21, s4  }
0x9e: {  	[timem:s8], [sflag:s22] =	dma.local [hbm:s6], s20  }
0x9f: {  	_ =	swait.ge [sflag:s22], s20  }
0xa0: {  	s5 =	ssub.s32 $0x0, s20;
	[sflag:s22] =	ssyncset.done $0x0  }
0xa1: {  	[sflag:s22] =	ssyncadd.s32 s5;
	_ =	sdelay $0x1  }
0xa2: {  	s23 =	simm.s32 $0x1B8B  }
0xa3: {  	_ =	swait.ge [sflag:s23], $0x1  }
0xa4: {  	[sflag:s23] =	ssyncset.done $0x0  }
0xa5: {  	s25 =	simm.s32 $0x1B8E;
	s24 =	sld [smem:$0x3FFE];
	[sflag:s23] =	ssyncadd.s32 $0xFFFFFFFF  }
0xa6: {  	s26 =	simm.s32 $execute0_lowered;
	[smem:$0x3FD2] =	sst s25  }
0xa7: {  	s6 =	sshll.u32 s26, $0x1;
	_ =	strace $0x80000046;
	[dreg:$0x1] =	wrdreg $0xFFFFFFFF  }
0xa8: {  	s28 =	simm.s32 $_size_execute0_lowered;
	s4 =	sadd.s32 s4, s6;
	[dreg:$0x0] =	wrdreg $0x0  }
0xa9: {  	s6 =	sshll.u32 s28, $0x1;
	[dreg:$0x2] =	wrdreg s4  }
0xaa: {  	[dreg:$0x3] =	wrdreg s6  }
0xab: {  	[dreg:$0x4] =	wrdreg $0xC0  }
0xac: {  	_ =	task [dreg:s8], $0x5FFFF  }
0xad: {  	[dreg:$0x1] =	wrdreg $0xFFFFFFFF  }
0xae: {  	[dreg:$0x0] =	wrdreg $0x60  }
0xaf: {  	[dreg:$0x2] =	wrdreg s2  }
0xb0: {  	[dreg:$0x3] =	wrdreg s24  }
0xb1: {  	[dreg:$0x4] =	wrdreg s18  }
0xb2: {  	[dreg:$0x5] =	wrdreg $0x9  }
0xb3: {  	_ =	task.clear_ibuf [dreg:s8], $0x6FFFF;
	_ =	strace $0x90000046  }
0xb4: {  	s29 =	simm.s32 $0x9;
	_ =	strace $0x80000048  }
0xb5: {  	_ =	swait.ge [sflag:s29], $0x1  }
0xb6: {  	[sflag:s29] =	ssyncadd.s32 $0xFFFFFFFF  }
0xb7: {  	_ =	strace $0x90000048  }
0xb8: {  	_ =	sfence  }
0xb9: {  	s30 =	sld [smem:$0x0];
	_ =	sdelay $0x2  }
0xba: {  	s31 =	sshll.u32 s1, $0xD;
	s1 =	sshrl.u32 s1, $0x2  }
0xbb: {  	s3 =	sand.u32 $0x4000, s31;
	s1 =	sadd.s32 s1, s30  }
0xbc: {  	s0 =	sor.u32 s3, s0;
	s1 =	sshll.u32 s1, $0x11  }
0xbd: {  	s0 =	sor.u32 s1, s0  }
0xbe: {  	s0 =	sadd.s32 $0x8F2B, s0  }
0xbf: {  	[sflag:s0] =	ssyncadd.remote.s32 $0x1  }
0xc0: {  	_ =	sfence.sel $0xFFFF  }
0xc1: {  	[dreg:$0x0] =	wrdreg $0xFFFFFFFF;
	(pc) =	sbr.abs _section_cstart, $3  }
0xc2: {  	[dreg:$0x1] =	wrdreg $0xFFFFFFFF  }
0xc3: {  	_ =	task.clear_ibuf [dreg:s8], $0x2FFFF;
	_ =	strace $0x9FFFFFFF  }
0xc4: {  	(tm) =	ssettm $0x7FFFFFFF  }
0xc5: {  	_ =	shalt  }
tec
execute0_lowered:
.L_overlay_start_1:
0x0: {  	(tag) =	ssettag $0x1  }
0x1: {  	v0 =	vimm.f32 $1.500000000e+01;
	vm0 =	vcmask $0x300  }
0x2: {  	vm14 =	vcmask $0x704;
	v0 =	vsel vm0, $0x0, v0  }
0x3: {  	s0 =	rddreg [dreg:$0x0];
	vm15 =	vcmask $0xB08;
	v0 =	vsel vm14, $0x3F800000, v0  }
0x4: {  	s1 =	rddreg [dreg:$0x1];
	s2 =	srdreg.scid;
	vm4 =	vcmask $0xF0C;
	v0 =	vsel vm15, $0x40000000, v0  }
0x5: {  	s3 =	stileid.u32;
	s6 =	rddreg [dreg:$0x2];
	vm5 =	vcmask $0x1310;
	v0 =	vsel vm4, $0x40400000, v0  }
0x6: {  	s12 =	simm.s32 $0x8000;
	vm6 =	vcmask $0x1714;
	s18 =	simm.s32 $0x2;
	s7 =	simm.s32 $0x7600;
	v0 =	vsel vm5, $0x40800000, v0  }
0x7: {  	vm7 =	vcmask $0x1B18;
	s30 =	simm.s32 $0x7E00;
	s31 =	simm.s32 $0x0;
	s2 =	sand.u32 $0x1, s2;
	v0 =	vsel vm6, $0x40A00000, v0  }
0x8: {  	vm8 =	vcmask $0x1F1C;
	s4 =	sshll.u32 s3, $0x1;
	s3 =	simm.s32 $0x0;
	s8 =	sadd.s32 $0x800, s0;
	v0 =	vsel vm7, $0x40C00000, v0  }
0x9: {  	vm9 =	vcmask $0x2320;
	s9 =	sadd.s32 $0x40, s6;
	s10 =	sadd.s32 $0x840, s0;
	s4 =	sor.u32 s2, s4;
	v0 =	vsel vm8, $0x40E00000, v0  }
0xa: {  	vm10 =	vcmask $0x2724;
	[smem:$0x7FF] =	sst s3;
	s2 =	ssub.s32 $0x2, s2;
	s5 =	smul.u32 $0xA0, s4;
	v0 =	vsel vm9, $0x41000000, v0  }
0xb: {  	vm11 =	vcmask $0x2B28;
	_ =	strace $0x80000047;
	s26 =	sshrl.u32 s2, $0x1;
	s4 =	sshll.u32 s4, $0x10;
	v0 =	vsel vm10, $0x41100000, v0  }
.Ltmp0:
0xc: {  	vm12 =	vcmask $0x2F2C;
	s2 =	ssub.s32 s2, s26;
	s28 =	sadd.s32 s0, s4;
	v0 =	vsel vm11, $0x41200000, v0;
	(pc) =	sbr.rel .LBB2_1-.Ltmp0, $4  }
0xd: {  	vm13 =	vcmask $0x3330;
	s1 =	sadd.s32 s5, s1;
	[dreg:$0x5] =	wrdreg s28;
	s29 =	smax.u32 s2, $0x1;
	v0 =	vsel vm12, $0x41300000, v0  }
0xe: {  	s6 =	simm.s32 $0x7A00;
	vm14 =	vcmask $0x3734;
	s1 =	sadd.s32 $0x400, s1;
	[dreg:$0x7] =	wrdreg s29;
	v0 =	vsel vm13, $0x41400000, v0  }
0xf: {  	vm15 =	vcmask $0x3B38;
	s26 =	simm.s32 $0x1;
	[dreg:$0x4] =	wrdreg s1;
	s1 =	sadd.s32 $0x40, s28;
	v0 =	vsel vm14, $0x41500000, v0  }
0x10: {  	v1 =	vlaneseq.u32;
	s2 =	simm.s32 $0x7200;
	s5 =	simm.s32 $0x0;
	[dreg:$0x6] =	wrdreg s1;
	v0 =	vsel vm15, $0x41600000, v0  }
.LBB2_10:
0x11: {  	s0 =	simm.s32 $0x3  }
0x12: {  	_ =	swait.ge [sflag:s0], $0x2000  }
0x13: {  	[sflag:s0] =	ssyncset.done $0x0  }
0x14: {  	s1 =	simm.s32 $0x4;
	[sflag:s0] =	ssyncadd.s32 $0xFFFFE000  }
0x15: {  	_ =	swait.ge [sflag:s1], $0x2000  }
0x16: {  	s5 =	rddreg [dreg:$0x8]  }
0x17: {  	s29 =	rddreg [dreg:$0x7];
	s5 =	sadd.s32 $0x1, s5  }
0x18: {  	p0 =	sne.s32 s5, s29  }
.Ltmp1:
0x19: {  	_ = 	snop;
	(pc) =	sbr.rel @!p0 .LBB2_11-.Ltmp1, $3  }
0x1a: {  	_ =	sdelay $0x1  }
0x1b: {  	[sflag:s1] =	ssyncset.done $0x0  }
0x1c: {  	[sflag:s1] =	ssyncadd.s32 $0xFFFFE000  }
.LBB2_1:
0x1d: {  	[dreg:$0x8] =	wrdreg s5;
	s0 =	scvt.s32.f32 s3  }
0x1e: {  	s1 =	rddreg [dreg:$0x4];
	s28 =	simm.s32 $0x5  }
0x1f: {  	[tilespmem:s12], [sflag:$0x5] =	stream.linear.gather [hbm4b:s1+s3], $0x500, $0x38;
	v2 =	vadd.f32 s0, v0;
	[tilespmem:$0xAD00] =	vst v63  }
0x20: {  	_ =	swait.ge [sflag:s28], $0x500  }
0x21: {  	[sflag:s28] =	ssyncset.done $0x0;
	v3 =	vmul.f32 v2, v2  }
0x22: {  	s29 =	simm.s32 $0x8500;
	[sflag:s28] =	ssyncadd.s32 $0xFFFFFB00  }
0x23: {  	s1 =	simm.s32 $0x8D00;
	s0 =	simm.s32 $0x10;
	[tilespmem:s29+$0x0] =	vst v2;
	v2 =	vmul.f32 v3, v2  }
0x24: {  	s5 =	simm.s32 $0x9500;
	s16 =	scvt.s32.f32 s0;
	[tilespmem:s1+$0x0] =	vst v3;
	v3 =	vmul.f32 v3, v3  }
0x25: {  	s15 =	simm.s32 $0x9D00;
	s17 =	simm.s32 $0x400000;
	[tilespmem:s5+$0x0] =	vst v2  }
0x26: {  	s14 =	simm.s32 $0xA500;
	v2 =	vadd.f32 s16, v0;
	[tilespmem:s15+$0x0] =	vst v3;
	v3 =	vor.u32 s17, v1  }
0x27: {  	s16 =	simm.s32 $0x8510;
	[tilespmem:s14+$0x0] =	vst v3  }
0x28: {  	s17 =	simm.s32 $0x20;
	v3 =	vmul.f32 v2, v2;
	[tilespmem:s16+$0x0] =	vst v2  }
.LBB2_2:
0x29: {  	s19 =	scvt.s32.f32 s17  }
0x2a: {  	v4 =	vmul.f32 v3, v2;
	s1 =	sadd.s32 $0x10, s1;
	s20 =	smov.u32 s17;
	p0 =	sne.s32 s17, $0x7F0  }
.Ltmp2:
0x2b: {  	s5 =	sadd.s32 $0x10, s5;
	s15 =	sadd.s32 $0x10, s15;
	[tilespmem:s1+$0x0] =	vst v3;
	v3 =	vmul.f32 v3, v3;
	(pc) =	sbr.rel @p0 .LBB2_2-.Ltmp2, $4  }
0x2c: {  	s17 =	sadd.s32 $0x10, s17;
	s0 =	sadd.s32 $0x400000, s0;
	v2 =	vadd.f32 s19, v0;
	[tilespmem:s5+$0x0] =	vst v4  }
0x2d: {  	s14 =	sadd.s32 $0x10, s14;
	v4 =	vor.u32 s0, v1;
	s0 =	smov.u32 s20;
	[tilespmem:s15+$0x0] =	vst v3  }
0x2e: {  	s16 =	sadd.s32 $0x10, s16;
	v3 =	vmul.f32 v2, v2;
	[tilespmem:s14+$0x0] =	vst v4  }
0x2f: {  	[tilespmem:s16+$0x0] =	vst v2  }
0x30: {  	v2 =	vmul.f32 v3, v2;
	s1 =	sadd.s32 $0x10, s1  }
0x31: {  	s11 =	sadd.s32 $0x10, s5;
	[tilespmem:s1+$0x0] =	vst v3;
	v3 =	vmul.f32 v3, v3  }
0x32: {  	s13 =	sadd.s32 $0x10, s15;
	s0 =	sadd.s32 $0x400000, s0;
	[tilespmem:s11+$0x0] =	vst v2  }
0x33: {  	s14 =	sadd.s32 $0x10, s14;
	v2 =	vor.u32 s0, v1;
	[tilespmem:s13+$0x0] =	vst v3  }
0x34: {  	s1 =	rddreg [dreg:$0x5];
	[tilespmem:s14+$0x0] =	vst v2  }
0x35: {  	[tilespmem:s31], [sflag:$0x1] =	stream.linear.gather [hbm4b:s1+s31], $0x200, $0x38;
	[tilespmem:$0xAD00] =	vst v63  }
0x36: {  	s16 =	simm.s32 $0x400;
	s15 =	sadd.s32 $0x80, s1  }
0x37: {  	[tilespmem:s16], [sflag:$0x1] =	stream.linear.gather [hbm4b:s15+s31], $0x200, $0x38;
	[tilespmem:$0xAD00] =	vst v63  }
0x38: {  	s19 =	simm.s32 $0x800;
	s17 =	sadd.s32 $0x100, s1  }
0x39: {  	[tilespmem:s19], [sflag:$0x1] =	stream.linear.gather [hbm4b:s17+s31], $0x200, $0x38;
	[tilespmem:$0xAD00] =	vst v63  }
0x3a: {  	s21 =	simm.s32 $0xC00;
	s20 =	sadd.s32 $0x180, s1  }
0x3b: {  	[tilespmem:s21], [sflag:$0x1] =	stream.linear.gather [hbm4b:s20+s31], $0x200, $0x38;
	[tilespmem:$0xAD00] =	vst v63  }
0x3c: {  	s23 =	simm.s32 $0x1000;
	s22 =	sadd.s32 $0x200, s1  }
0x3d: {  	[tilespmem:s23], [sflag:$0x1] =	stream.linear.gather [hbm4b:s22+s31], $0x200, $0x38;
	[tilespmem:$0xAD00] =	vst v63  }
0x3e: {  	s25 =	simm.s32 $0x1400;
	s24 =	sadd.s32 $0x280, s1  }
0x3f: {  	[tilespmem:s25], [sflag:$0x1] =	stream.linear.gather [hbm4b:s24+s31], $0x200, $0x38;
	[tilespmem:$0xAD00] =	vst v63  }
0x40: {  	s29 =	simm.s32 $0x1800;
	s28 =	sadd.s32 $0x300, s1  }
0x41: {  	[tilespmem:s29], [sflag:$0x1] =	stream.linear.gather [hbm4b:s28+s31], $0x200, $0x38;
	[tilespmem:$0xAD00] =	vst v63  }
0x42: {  	s5 =	sadd.s32 $0x380, s1;
	s11 =	simm.s32 $0x1C00  }
0x43: {  	[tilespmem:s11], [sflag:$0x1] =	stream.linear.gather [hbm4b:s5+s31], $0x200, $0x38;
	[tilespmem:$0xAD00] =	vst v63  }
0x44: {  	s13 =	sadd.s32 $0x400, s1;
	s14 =	simm.s32 $0x2000  }
0x45: {  	[tilespmem:s14], [sflag:$0x1] =	stream.linear.gather [hbm4b:s13+s31], $0x200, $0x38;
	[tilespmem:$0xAD00] =	vst v63  }
0x46: {  	s15 =	sadd.s32 $0x480, s1;
	s16 =	simm.s32 $0x2400  }
0x47: {  	[tilespmem:s16], [sflag:$0x1] =	stream.linear.gather [hbm4b:s15+s31], $0x200, $0x38;
	[tilespmem:$0xAD00] =	vst v63  }
0x48: {  	s17 =	sadd.s32 $0x500, s1;
	s19 =	simm.s32 $0x2800  }
0x49: {  	[tilespmem:s19], [sflag:$0x1] =	stream.linear.gather [hbm4b:s17+s31], $0x200, $0x38;
	[tilespmem:$0xAD00] =	vst v63  }
0x4a: {  	s20 =	sadd.s32 $0x580, s1;
	s21 =	simm.s32 $0x2C00  }
0x4b: {  	[tilespmem:s21], [sflag:$0x1] =	stream.linear.gather [hbm4b:s20+s31], $0x200, $0x38;
	[tilespmem:$0xAD00] =	vst v63  }
0x4c: {  	s22 =	sadd.s32 $0x600, s1;
	s23 =	simm.s32 $0x3000  }
0x4d: {  	[tilespmem:s23], [sflag:$0x1] =	stream.linear.gather [hbm4b:s22+s31], $0x200, $0x38;
	[tilespmem:$0xAD00] =	vst v63  }
0x4e: {  	s24 =	sadd.s32 $0x680, s1;
	s25 =	simm.s32 $0x3400  }
0x4f: {  	[tilespmem:s25], [sflag:$0x1] =	stream.linear.gather [hbm4b:s24+s31], $0x200, $0x38;
	[tilespmem:$0xAD00] =	vst v63  }
0x50: {  	s28 =	sadd.s32 $0x700, s1;
	s29 =	simm.s32 $0x3800  }
0x51: {  	[tilespmem:s29], [sflag:$0x1] =	stream.linear.gather [hbm4b:s28+s31], $0x200, $0x38;
	[tilespmem:$0xAD00] =	vst v63  }
0x52: {  	s1 =	sadd.s32 $0x780, s1;
	s5 =	simm.s32 $0x3C00  }
0x53: {  	[tilespmem:s5], [sflag:$0x1] =	stream.linear.gather [hbm4b:s1+s31], $0x200, $0x38;
	[tilespmem:$0xAD00] =	vst v63  }
0x54: {  	s11 =	simm.s32 $0x200;
	s1 =	rddreg [dreg:$0x6]  }
0x55: {  	[tilespmem:s11], [sflag:$0x2] =	stream.linear.gather [hbm4b:s1+s31], $0x200, $0x38;
	[tilespmem:$0xAD00] =	vst v63  }
0x56: {  	s14 =	simm.s32 $0x600;
	s13 =	sadd.s32 $0x80, s1  }
0x57: {  	[tilespmem:s14], [sflag:$0x2] =	stream.linear.gather [hbm4b:s13+s31], $0x200, $0x38;
	[tilespmem:$0xAD00] =	vst v63  }
0x58: {  	s16 =	simm.s32 $0xA00;
	s15 =	sadd.s32 $0x100, s1  }
0x59: {  	[tilespmem:s16], [sflag:$0x2] =	stream.linear.gather [hbm4b:s15+s31], $0x200, $0x38;
	[tilespmem:$0xAD00] =	vst v63  }
0x5a: {  	s19 =	simm.s32 $0xE00;
	s17 =	sadd.s32 $0x180, s1  }
0x5b: {  	[tilespmem:s19], [sflag:$0x2] =	stream.linear.gather [hbm4b:s17+s31], $0x200, $0x38;
	[tilespmem:$0xAD00] =	vst v63  }
0x5c: {  	s21 =	simm.s32 $0x1200;
	s20 =	sadd.s32 $0x200, s1  }
0x5d: {  	[tilespmem:s21], [sflag:$0x2] =	stream.linear.gather [hbm4b:s20+s31], $0x200, $0x38;
	[tilespmem:$0xAD00] =	vst v63  }
0x5e: {  	s23 =	simm.s32 $0x1600;
	s22 =	sadd.s32 $0x280, s1  }
0x5f: {  	[tilespmem:s23], [sflag:$0x2] =	stream.linear.gather [hbm4b:s22+s31], $0x200, $0x38;
	[tilespmem:$0xAD00] =	vst v63  }
0x60: {  	s25 =	simm.s32 $0x1A00;
	s24 =	sadd.s32 $0x300, s1  }
0x61: {  	[tilespmem:s25], [sflag:$0x2] =	stream.linear.gather [hbm4b:s24+s31], $0x200, $0x38;
	[tilespmem:$0xAD00] =	vst v63  }
0x62: {  	s29 =	simm.s32 $0x1E00;
	s28 =	sadd.s32 $0x380, s1  }
0x63: {  	[tilespmem:s29], [sflag:$0x2] =	stream.linear.gather [hbm4b:s28+s31], $0x200, $0x38;
	[tilespmem:$0xAD00] =	vst v63  }
0x64: {  	s5 =	sadd.s32 $0x400, s1;
	s11 =	simm.s32 $0x2200  }
0x65: {  	[tilespmem:s11], [sflag:$0x2] =	stream.linear.gather [hbm4b:s5+s31], $0x200, $0x38;
	[tilespmem:$0xAD00] =	vst v63  }
0x66: {  	s13 =	sadd.s32 $0x480, s1;
	s14 =	simm.s32 $0x2600  }
0x67: {  	[tilespmem:s14], [sflag:$0x2] =	stream.linear.gather [hbm4b:s13+s31], $0x200, $0x38;
	[tilespmem:$0xAD00] =	vst v63  }
0x68: {  	s15 =	sadd.s32 $0x500, s1;
	s16 =	simm.s32 $0x2A00  }
0x69: {  	[tilespmem:s16], [sflag:$0x2] =	stream.linear.gather [hbm4b:s15+s31], $0x200, $0x38;
	[tilespmem:$0xAD00] =	vst v63  }
0x6a: {  	s17 =	sadd.s32 $0x580, s1;
	s19 =	simm.s32 $0x2E00  }
0x6b: {  	[tilespmem:s19], [sflag:$0x2] =	stream.linear.gather [hbm4b:s17+s31], $0x200, $0x38;
	[tilespmem:$0xAD00] =	vst v63  }
0x6c: {  	s20 =	sadd.s32 $0x600, s1;
	s21 =	simm.s32 $0x3200  }
0x6d: {  	[tilespmem:s21], [sflag:$0x2] =	stream.linear.gather [hbm4b:s20+s31], $0x200, $0x38;
	[tilespmem:$0xAD00] =	vst v63  }
0x6e: {  	s22 =	sadd.s32 $0x680, s1;
	s23 =	simm.s32 $0x3600  }
0x6f: {  	[tilespmem:s23], [sflag:$0x2] =	stream.linear.gather [hbm4b:s22+s31], $0x200, $0x38;
	[tilespmem:$0xAD00] =	vst v63  }
0x70: {  	s24 =	sadd.s32 $0x700, s1;
	s25 =	simm.s32 $0x3A00  }
0x71: {  	[tilespmem:s25], [sflag:$0x2] =	stream.linear.gather [hbm4b:s24+s31], $0x200, $0x38;
	[tilespmem:$0xAD00] =	vst v63  }
0x72: {  	s28 =	sadd.s32 $0x780, s1;
	s29 =	simm.s32 $0x3E00;
	s1 =	simm.s32 $0x0  }
0x73: {  	[tilespmem:s29], [sflag:$0x2] =	stream.linear.gather [hbm4b:s28+s31], $0x200, $0x38;
	[tilespmem:$0xAD00] =	vst v63  }
.LBB2_4:
0x74: {  	s0 =	smul.u32 $0x28, s1  }
0x75: {  	_ =	swait.ge [sflag:s26], $0x2000  }
0x76: {  	p1 =	seq.s32 s1, $0x0;
	[sflag:s26] =	ssyncset.done $0x0;
	v2 =	vmov s0  }
0x77: {  	s5 =	simm.s32 @!p1 $0x3;
	[sflag:s26] =	ssyncadd.s32 $0xFFFFE000;
	v3 =	vor.u32 $0x1, v2  }
0x78: {  	_ =	swait.ge @!p1 [sflag:s5], $0x2000  }
0x79: {  	[sflag:s5] =	ssyncset.done @!p1 $0x0  }
0x7a: {  	s13 =	simm.s32 $0x9500;
	[sflag:s5] =	ssyncadd.s32 @!p1 $0xFFFFE000  }
0x7b: {  	v4 =	vor.u32 $0x2, v2;
	v6 =	vld [tilespmem:s13+$0x0]  }
0x7c: {  	s14 =	simm.s32 $0x9D00;
	v7 =	vld.idx.msk [tilespmem:v3+s12+$0x0], $0xffff;
	v3 =	vor.u32 $0x3, v2  }
0x7d: {  	v10 =	vld [tilespmem:s14+$0x0]  }
0x7e: {  	s14 =	simm.s32 $0x8D00;
	v5 =	vld.idx.msk [tilespmem:v2+s12+$0x0], $0xffff  }
0x7f: {  	v22 =	vld [tilespmem:s14+$0x0]  }
0x80: {  	s15 =	sor.u32 $0x5, s0;
	v8 =	vld.idx.msk [tilespmem:v4+s12+$0x0], $0xffff;
	v2 =	vor.u32 $0x4, v2  }
0x81: {  	s16 =	simm.s32 $0x8500;
	v12 =	vld.idx.msk [tilespmem:v3+s12+$0x0], $0xffff;
	v3 =	vmov s15  }
0x82: {  	v24 =	vld [tilespmem:s16+$0x0];
	v4 =	vadd.s32 $0x1, v3  }
0x83: {  	v9 =	vmul.f32 v10, v5;
	v11 =	vmul.f32 v6, v7  }
0x84: {  	v13 =	vor.u32 $0x2, v3  }
0x85: {  	v17 =	vld.idx.msk [tilespmem:v2+s12+$0x0], $0xffff;
	v2 =	vadd.s32 $0x3, v3;
	v9 =	vadd.f32 v9, v11;
	v11 =	vmul.f32 v22, v8  }
0x86: {  	v20 =	vld.idx.msk [tilespmem:v3+s12+$0x0], $0xffff  }
0x87: {  	v19 =	vld.idx.msk [tilespmem:v4+s12+$0x0], $0xffff;
	v4 =	vadd.f32 v9, v11;
	v9 =	vmul.f32 v24, v12;
	_ =	sdelay $0x1  }
0x88: {  	v21 =	vld.idx.msk [tilespmem:v13+s12+$0x0], $0xffff;
	v4 =	vadd.f32 v4, v9  }
0x89: {  	s17 =	simm.s32 $0xA500;
	v16 =	vld.idx.msk [tilespmem:v2+s12+$0x0], $0xffff;
	v2 =	vadd.s32 $0x4, v3  }
0x8a: {  	s19 =	sadd.s32 $0xA, s0;
	v23 =	vld [tilespmem:s17+$0x0];
	v25 =	vadd.f32 v4, v17  }
0x8b: {  	v11 =	vmov s19;
	v3 =	vmul.f32 v10, v20;
	v4 =	vmul.f32 v6, v19  }
0x8c: {  	v13 =	vor.u32 $0x1, v11;
	v26 =	vadd.f32 $1.258291200e+07, v25  }
0x8d: {  	v9 =	vmul.f32 v22, v21;
	v3 =	vadd.f32 v3, v4  }
0x8e: {  	v15 =	vadd.s32 $0x3, v11;
	v18 =	vld.idx.msk [tilespmem:v2+s12+$0x0], $0xffff;
	v2 =	vadd.s32 $0x2, v11;
	v4 =	vand.u32 $0x7FFFFF, v26  }
0x8f: {  	s20 =	sadd.s32 $0xF, s0;
	v14 =	vmul.f32 v24, v16;
	v3 =	vadd.f32 v3, v9;
	v4 =	vsub.s32 v23, v4  }
0x90: {  	v27 =	vmov s20;
	vm0 =	vgt.s32 v4, $0x1  }
0x91: {  	v28 =	vadd.s32 $0x1, v27;
	v13 =	vld.idx.msk [tilespmem:v13+s12+$0x0], $0xffff;
	v3 =	vadd.f32 v3, v14;
	v4 =	vnsel vm0, $0x1, v4  }
0x92: {  	v29 =	vadd.s32 $0x3, v27;
	v9 =	vld.idx.msk [tilespmem:v11+s12+$0x0], $0xffff;
	v11 =	vor.u32 $0x4, v11;
	v4 =	vmin.u32 v4, $0x7FF  }
0x93: {  	v15 =	vld.idx.msk [tilespmem:v15+s12+$0x0], $0xffff;
	v30 =	vadd.f32 v3, v18;
	v3 =	vshll.u32 v4, $0x3;
	v31 =	vadd.s32 $0xFFFFFFFF, v4  }
0x94: {  	v14 =	vld.idx.msk [tilespmem:v2+s12+$0x0], $0xffff;
	v2 =	vand.u32 $0x7F, v4;
	v3 =	vand.u32 $0x3C00, v3;
	v4 =	vshll.u32 v31, $0x3  }
0x95: {  	v31 =	vand.u32 $0x7F, v31;
	v32 =	vor.u32 v2, v3;
	v2 =	vand.u32 $0x7FFFFC00, v4;
	v3 =	vld.idx.msk [tilespmem:v27+s12+$0x0], $0xffff  }
0x96: {  	v33 =	vadd.f32 $1.258291200e+07, v30;
	v4 =	vld.idx.msk [tilespmem:v28+s12+$0x0], $0xffff;
	v31 =	vor.u32 v31, v2  }
0x97: {  	v35 =	vadd.s32 $0x2, v27;
	v34 =	vmul.f32 v6, v13;
	v2 =	vld.idx.msk [tilespmem:v29+s12+$0x0], $0xffff;
	v29 =	vmul.f32 v10, v9  }
0x98: {  	v36 =	vadd.s32 $0x4, v27;
	v28 =	vand.u32 $0x7FFFFF, v33  }
0x99: {  	v11 =	vld.idx.msk [tilespmem:v11+s12+$0x0], $0xffff;
	v59 =	vmul.f32 v22, v14;
	v29 =	vadd.f32 v29, v34;
	v27 =	vsub.s32 v23, v28  }
0x9a: {  	v26 =	vadd.f32 $-1.258291200e+07, v26;
	vm12 =	vgt.s32 v27, $0x1;
	v32 =	vld.idx.msk [tilespmem:v32+s3+$0x0], $0xffff  }
0x9b: {  	v29 =	vadd.f32 v29, v59;
	v37 =	vmul.f32 v10, v3;
	v6 =	vmul.f32 v6, v4;
	v28 =	vld.idx.msk [tilespmem:v31+s3+$0x0], $0xffff  }
0x9c: {  	v10 =	vld.idx.msk [tilespmem:v35+s12+$0x0], $0xffff;
	v31 =	vmul.f32 v24, v15;
	v60 =	vmul.f32 v24, v2;
	v24 =	vnsel vm12, $0x1, v27  }
0x9d: {  	v25 =	vsub.f32 v25, v26;
	v27 =	vmin.u32 v24, $0x7FF;
	v42 =	vadd.f32 v37, v6  }
0x9e: {  	s22 =	simm.s32 $0x9510;
	v29 =	vadd.f32 v29, v31;
	v26 =	vshll.u32 v27, $0x3;
	v38 =	vadd.s32 $0xFFFFFFFF, v27  }
0x9f: {  	s21 =	simm.s32 $0x9D10;
	v24 =	vld [tilespmem:s22+$0x0];
	v61 =	vand.u32 $0x7F, v27;
	v26 =	vand.u32 $0x3C00, v26;
	v62 =	vshll.u32 v38, $0x3  }
0xa0: {  	s23 =	simm.s32 $0x8D10;
	v31 =	vld [tilespmem:s21+$0x0];
	v38 =	vand.u32 $0x7F, v38;
	v26 =	vor.u32 v26, v61;
	v28 =	vsub.f32 v28, v32  }
0xa1: {  	v27 =	vld [tilespmem:s23+$0x0];
	v35 =	vand.u32 $0x7FFFFC00, v62;
	v29 =	vadd.f32 v29, v11;
	v22 =	vmul.f32 v22, v10  }
0xa2: {  	v26 =	vor.u32 $0x80, v26;
	v25 =	vmul.f32 v25, v28;
	v28 =	vor.u32 v35, v38  }
0xa3: {  	s24 =	simm.s32 $0x8510;
	v33 =	vadd.f32 $-1.258291200e+07, v33;
	v6 =	vld.idx.msk [tilespmem:v36+s12+$0x0], $0xffff;
	v45 =	vadd.f32 $1.258291200e+07, v29;
	v28 =	vor.u32 $0x80, v28  }
0xa4: {  	s25 =	sand.u32 $0x70, s31;
	s28 =	sand.u32 $0x3C00, s31;
	v39 =	vmul.f32 v24, v7;
	v22 =	vadd.f32 v42, v22;
	v35 =	vld [tilespmem:s24+$0x0];
	v25 =	vadd.f32 v25, v32  }
0xa5: {  	s14 =	sor.u32 s25, s28;
	v30 =	vsub.f32 v30, v33;
	v40 =	vmul.f32 v24, v19;
	v63 =	vmul.f32 v31, v5  }
0xa6: {  	v44 =	vmul.f32 v27, v8;
	v49 =	vand.u32 $0x7FFFFF, v45;
	v22 =	vadd.f32 v22, v60;
	[tilespmem:s14+$0x4000] =	vst v25  }
0xa7: {  	v46 =	vmul.f32 v27, v21;
	v43 =	vadd.f32 v63, v39;
	v37 =	vsub.s32 v23, v49;
	v26 =	vld.idx.msk [tilespmem:v26+s3+$0x0], $0xffff  }
0xa8: {  	vm13 =	vgt.s32 v37, $0x1;
	v36 =	vadd.f32 v22, v6;
	v25 =	vmul.f32 v31, v20;
	v28 =	vld.idx.msk [tilespmem:v28+s3+$0x0], $0xffff  }
0xa9: {  	v47 =	vadd.f32 v43, v44;
	v50 =	vnsel vm13, $0x1, v37;
	v48 =	vmul.f32 v35, v12  }
0xaa: {  	v22 =	vmin.u32 v50, $0x7FF;
	v58 =	vadd.f32 $1.258291200e+07, v36;
	v59 =	vmul.f32 v35, v16  }
0xab: {  	v25 =	vadd.f32 v25, v40;
	v51 =	vand.u32 $0x7F, v22;
	v52 =	vshll.u32 v22, $0x3  }
0xac: {  	v34 =	vadd.s32 $0xFFFFFFFF, v22;
	v32 =	vadd.f32 v47, v48;
	v33 =	vand.u32 $0x3C00, v52  }
0xad: {  	s16 =	simm.s32 $0xA510;
	v53 =	vshll.u32 v34, $0x3;
	v54 =	vand.u32 $0x7F, v34;
	v28 =	vsub.f32 v28, v26  }
0xae: {  	v22 =	vld [tilespmem:s16+$0x0];
	v55 =	vand.u32 $0x7FFFFC00, v53;
	v37 =	vadd.f32 v32, v17;
	v32 =	vor.u32 v33, v51  }
0xaf: {  	v56 =	vor.u32 v55, v54;
	v28 =	vmul.f32 v30, v28;
	v30 =	vor.u32 $0x100, v32  }
0xb0: {  	v41 =	vand.u32 $0x7FFFFF, v58;
	v57 =	vadd.f32 $1.258291200e+07, v37;
	v32 =	vor.u32 $0x100, v56  }
0xb1: {  	v25 =	vadd.f32 v25, v46;
	v23 =	vsub.s32 v23, v41;
	v26 =	vadd.f32 v28, v26  }
0xb2: {  	v38 =	vadd.f32 $-1.258291200e+07, v45;
	vm1 =	vgt.s32 v23, $0x1;
	v28 =	vand.u32 $0x7FFFFF, v57  }
0xb3: {  	v25 =	vadd.f32 v25, v59;
	v23 =	vnsel vm1, $0x1, v23;
	v28 =	vsub.s32 v22, v28;
	[tilespmem:s14+$0x4080] =	vst v26  }
0xb4: {  	v29 =	vsub.f32 v29, v38;
	v23 =	vmin.u32 v23, $0x7FF;
	vm14 =	vgt.s32 v28, $0x1;
	v61 =	vld.idx.msk [tilespmem:v30+s3+$0x0], $0xffff  }
0xb5: {  	v62 =	vshll.u32 v23, $0x3;
	v26 =	vadd.f32 v25, v18;
	v28 =	vnsel vm14, $0x1, v28;
	v25 =	vld.idx.msk [tilespmem:v32+s3+$0x0], $0xffff  }
0xb6: {  	v30 =	vand.u32 $0x7F, v23;
	v23 =	vadd.s32 $0xFFFFFFFF, v23;
	v32 =	vand.u32 $0x3C00, v62  }
0xb7: {  	v28 =	vmin.u32 v28, $0x7FF;
	v42 =	vand.u32 $0x7F, v23;
	v23 =	vshll.u32 v23, $0x3  }
0xb8: {  	v63 =	vand.u32 $0x7F, v28;
	v45 =	vshll.u32 v28, $0x3;
	v28 =	vadd.s32 $0xFFFFFFFF, v28  }
0xb9: {  	v41 =	vand.u32 $0x3C00, v45;
	v43 =	vand.u32 $0x7F, v28;
	v28 =	vshll.u32 v28, $0x3  }
0xba: {  	v38 =	vor.u32 v63, v41;
	v28 =	vand.u32 $0x7FFFFC00, v28;
	v25 =	vsub.f32 v25, v61  }
0xbb: {  	v30 =	vor.u32 v32, v30;
	v23 =	vand.u32 $0x7FFFFC00, v23;
	v28 =	vor.u32 v43, v28  }
0xbc: {  	v23 =	vor.u32 v23, v42;
	v25 =	vmul.f32 v25, v29;
	v29 =	vor.u32 $0x180, v30  }
0xbd: {  	v60 =	vmul.f32 v31, v9;
	v23 =	vor.u32 $0x180, v23;
	v30 =	vadd.f32 $1.258291200e+07, v26  }
0xbe: {  	v31 =	vmul.f32 v31, v3;
	v46 =	vmul.f32 v24, v13;
	v25 =	vadd.f32 v25, v61  }
0xbf: {  	v50 =	vmul.f32 v24, v4;
	v48 =	vmul.f32 v27, v14;
	v38 =	vld.idx.msk [tilespmem:v38+s3+$0x0], $0xffff;
	v47 =	vand.u32 $0x7FFFFF, v30  }
0xc0: {  	v34 =	vadd.f32 $-1.258291200e+07, v58;
	v40 =	vadd.f32 v60, v46;
	v28 =	vld.idx.msk [tilespmem:v28+s3+$0x0], $0xffff;
	v39 =	vsub.s32 v22, v47;
	[tilespmem:s14+$0x4100] =	vst v25  }
0xc1: {  	v33 =	vadd.f32 $-1.258291200e+07, v57;
	v32 =	vmul.f32 v35, v2;
	vm15 =	vgt.s32 v39, $0x1;
	v29 =	vld.idx.msk [tilespmem:v29+s3+$0x0], $0xffff  }
0xc2: {  	s20 =	simm.s32 $0x9520;
	v35 =	vmul.f32 v35, v15;
	v25 =	vadd.f32 v40, v48;
	v39 =	vnsel vm15, $0x1, v39;
	v49 =	vld.idx.msk [tilespmem:v23+s3+$0x0], $0xffff  }
0xc3: {  	s21 =	simm.s32 $0x9D20;
	v36 =	vsub.f32 v36, v34;
	v33 =	vsub.f32 v37, v33;
	v23 =	vld [tilespmem:s20+$0x0];
	v39 =	vmin.u32 v39, $0x7FF  }
0xc4: {  	v63 =	vmul.f32 v27, v10;
	v35 =	vadd.f32 v25, v35;
	v25 =	vld [tilespmem:s21+$0x0];
	v24 =	vshll.u32 v39, $0x3  }
0xc5: {  	v51 =	vand.u32 $0x7F, v39;
	v52 =	vadd.s32 $0xFFFFFFFF, v39;
	v24 =	vand.u32 $0x3C00, v24  }
0xc6: {  	s23 =	simm.s32 $0x8D20;
	v28 =	vsub.f32 v28, v38;
	v39 =	vshll.u32 v52, $0x3;
	v34 =	vor.u32 v24, v51  }
0xc7: {  	v54 =	vand.u32 $0x7F, v52;
	v24 =	vld [tilespmem:s23+$0x0];
	v55 =	vand.u32 $0x7FFFFC00, v39;
	v53 =	vor.u32 $0x80, v34  }
0xc8: {  	s5 =	simm.s32 $0x8520;
	v28 =	vmul.f32 v33, v28;
	v56 =	vor.u32 v55, v54;
	v57 =	vsub.f32 v49, v29  }
0xc9: {  	s29 =	simm.s32 $0x10;
	s17 =	simm.s32 $0x80;
	v27 =	vld [tilespmem:s5+$0x0];
	v59 =	vmul.f32 v23, v7;
	v58 =	vmul.f32 v25, v5;
	v34 =	vor.u32 $0x80, v56  }
0xca: {  	s15 =	sand.u32 $0x70, s29;
	s19 =	sand.u32 $0x3C00, s17;
	v60 =	vadd.f32 v28, v38;
	v28 =	vadd.f32 v35, v11;
	v61 =	vmul.f32 v57, v36  }
0xcb: {  	s22 =	sor.u32 s15, s19;
	v62 =	vadd.f32 v31, v50;
	v37 =	vadd.f32 v58, v59  }
0xcc: {  	v38 =	vmul.f32 v24, v8;
	[tilespmem:s22+$0x4000] =	vst v60;
	v31 =	vadd.f32 $1.258291200e+07, v28;
	v29 =	vadd.f32 v61, v29  }
0xcd: {  	s15 =	sshll.u32 s1, $0xB;
	s19 =	simm.s32 $0x20;
	s24 =	simm.s32 $0x30;
	v39 =	vadd.f32 v62, v63;
	v36 =	vmul.f32 v25, v20;
	v35 =	vmul.f32 v24, v21;
	v33 =	vld.idx.msk [tilespmem:v53+s3+$0x0], $0xffff  }
.LBB2_5:
0xce: {  	p0 =	sne.s32 s24, $0x7F0;
	v37 =	vadd.f32 v37, v38;
	v38 =	vmul.f32 v27, v12;
	v34 =	vld.idx.msk [tilespmem:v34+s3+$0x0], $0xffff;
	v40 =	vand.u32 $0x7FFFFF, v31;
	[tilespmem:s14+$0x4180] =	vst v29;
	s14 =	smov.u32 s22  }
0xcf: {  	v29 =	vmul.f32 v23, v19;
	v40 =	vsub.s32 v22, v40;
	v32 =	vadd.f32 v39, v32  }
0xd0: {  	v30 =	vadd.f32 $-1.258291200e+07, v30;
	v37 =	vadd.f32 v37, v38;
	vm0 =	vgt.s32 v40, $0x1  }
0xd1: {  	v29 =	vadd.f32 v36, v29;
	v36 =	vnsel vm0, $0x1, v40;
	v38 =	vadd.f32 v32, v6  }
0xd2: {  	v26 =	vsub.f32 v26, v30;
	v37 =	vadd.f32 v37, v17;
	v30 =	vmin.u32 v36, $0x7FF  }
0xd3: {  	v32 =	vand.u32 $0x7F, v30;
	v36 =	vshll.u32 v30, $0x3;
	v30 =	vadd.s32 $0xFFFFFFFF, v30  }
0xd4: {  	s16 =	sadd.s32 $0x10, s16;
	v34 =	vsub.f32 v34, v33;
	v36 =	vand.u32 $0x3C00, v36;
	v39 =	vshll.u32 v30, $0x3  }
0xd5: {  	v30 =	vand.u32 $0x7F, v30;
	v40 =	vld [tilespmem:s16+$0x0];
	v32 =	vor.u32 v36, v32;
	v36 =	vand.u32 $0x7FFFFC00, v39  }
0xd6: {  	v26 =	vmul.f32 v26, v34;
	v32 =	vor.u32 $0x100, v32;
	v30 =	vor.u32 v36, v30  }
0xd7: {  	v34 =	vadd.f32 $1.258291200e+07, v37;
	v36 =	vadd.f32 $1.258291200e+07, v38;
	v30 =	vor.u32 $0x100, v30  }
0xd8: {  	v29 =	vadd.f32 v29, v35;
	v35 =	vmul.f32 v27, v16;
	v26 =	vadd.f32 v26, v33  }
0xd9: {  	v39 =	vmul.f32 v25, v9;
	v33 =	vand.u32 $0x7FFFFF, v34;
	v41 =	vand.u32 $0x7FFFFF, v36  }
0xda: {  	v29 =	vadd.f32 v29, v35;
	v35 =	vsub.s32 v22, v41;
	v33 =	vsub.s32 v40, v33;
	[tilespmem:s14+$0x4080] =	vst v26  }
0xdb: {  	v31 =	vadd.f32 $-1.258291200e+07, v31;
	vm1 =	vgt.s32 v35, $0x1;
	v22 =	vmovc v40;
	vm0 =	vgt.s32 v33, $0x1;
	v41 =	vld.idx.msk [tilespmem:v32+s3+$0x0], $0xffff  }
0xdc: {  	v26 =	vadd.f32 v29, v18;
	v32 =	vnsel vm0, $0x1, v33;
	v29 =	vld.idx.msk [tilespmem:v30+s3+$0x0], $0xffff;
	v30 =	vnsel vm1, $0x1, v35  }
0xdd: {  	v28 =	vsub.f32 v28, v31;
	v32 =	vmin.u32 v32, $0x7FF;
	v30 =	vmin.u32 v30, $0x7FF  }
0xde: {  	v31 =	vand.u32 $0x7F, v30;
	v33 =	vshll.u32 v30, $0x3;
	v30 =	vadd.s32 $0xFFFFFFFF, v30  }
0xdf: {  	v35 =	vand.u32 $0x7F, v32;
	v40 =	vshll.u32 v32, $0x3;
	v32 =	vadd.s32 $0xFFFFFFFF, v32  }
0xe0: {  	v33 =	vand.u32 $0x3C00, v33;
	v42 =	vand.u32 $0x7F, v30;
	v30 =	vshll.u32 v30, $0x3  }
0xe1: {  	v40 =	vand.u32 $0x3C00, v40;
	v43 =	vand.u32 $0x7F, v32;
	v32 =	vshll.u32 v32, $0x3  }
0xe2: {  	v35 =	vor.u32 v35, v40;
	v32 =	vand.u32 $0x7FFFFC00, v32;
	v29 =	vsub.f32 v29, v41  }
0xe3: {  	v31 =	vor.u32 v33, v31;
	v30 =	vand.u32 $0x7FFFFC00, v30;
	v40 =	vor.u32 v43, v32  }
0xe4: {  	v28 =	vmul.f32 v29, v28;
	v29 =	vor.u32 $0x180, v31;
	v31 =	vor.u32 v30, v42  }
0xe5: {  	v33 =	vmul.f32 v23, v13;
	v30 =	vadd.f32 $1.258291200e+07, v26;
	v31 =	vor.u32 $0x180, v31  }
0xe6: {  	v32 =	vmul.f32 v27, v2;
	v28 =	vadd.f32 v28, v41  }
0xe7: {  	v33 =	vadd.f32 v39, v33;
	v39 =	vmul.f32 v24, v14;
	v41 =	vand.u32 $0x7FFFFF, v30;
	v35 =	vld.idx.msk [tilespmem:v35+s3+$0x0], $0xffff  }
0xe8: {  	v42 =	vmul.f32 v25, v3;
	v41 =	vsub.s32 v22, v41;
	v40 =	vld.idx.msk [tilespmem:v40+s3+$0x0], $0xffff;
	[tilespmem:s14+$0x4100] =	vst v28  }
0xe9: {  	v27 =	vmul.f32 v27, v15;
	v25 =	vadd.f32 v33, v39;
	vm0 =	vgt.s32 v41, $0x1;
	v29 =	vld.idx.msk [tilespmem:v29+s3+$0x0], $0xffff  }
0xea: {  	s20 =	sadd.s32 $0x10, s20;
	v28 =	vadd.f32 $-1.258291200e+07, v34;
	v33 =	vnsel vm0, $0x1, v41;
	v34 =	vadd.f32 $-1.258291200e+07, v36;
	v31 =	vld.idx.msk [tilespmem:v31+s3+$0x0], $0xffff  }
0xeb: {  	s21 =	sadd.s32 $0x10, s21;
	v39 =	vmul.f32 v23, v4;
	v36 =	vadd.f32 v25, v27;
	v33 =	vmin.u32 v33, $0x7FF;
	v23 =	vld [tilespmem:s20+$0x0]  }
0xec: {  	v27 =	vsub.f32 v37, v28;
	v28 =	vshll.u32 v33, $0x3;
	v37 =	vsub.f32 v38, v34;
	v25 =	vld [tilespmem:s21+$0x0]  }
0xed: {  	v34 =	vand.u32 $0x7F, v33;
	v33 =	vadd.s32 $0xFFFFFFFF, v33;
	v28 =	vand.u32 $0x3C00, v28  }
0xee: {  	s23 =	sadd.s32 $0x10, s23;
	v28 =	vor.u32 v28, v34;
	v34 =	vshll.u32 v33, $0x3;
	v38 =	vsub.f32 v40, v35  }
0xef: {  	v41 =	vor.u32 $0x80, v28;
	v28 =	vand.u32 $0x7F, v33;
	v33 =	vand.u32 $0x7FFFFC00, v34;
	v40 =	vld [tilespmem:s23+$0x0]  }
0xf0: {  	s5 =	sadd.s32 $0x10, s5;
	v28 =	vor.u32 v33, v28;
	v38 =	vmul.f32 v27, v38;
	v31 =	vsub.f32 v31, v29  }
.Ltmp3:
0xf1: {  	s17 =	sadd.s32 $0x80, s17;
	v34 =	vor.u32 $0x80, v28;
	v43 =	vmul.f32 v23, v7;
	v27 =	vld [tilespmem:s5+$0x0];
	v33 =	vmul.f32 v25, v5;
	(pc) =	sbr.rel @p0 .LBB2_5-.Ltmp3, $4  }
0xf2: {  	s22 =	sand.u32 $0x70, s19;
	s19 =	smov.u32 s24;
	s25 =	sand.u32 $0x3C00, s17;
	v28 =	vadd.f32 v36, v11;
	v35 =	vadd.f32 v38, v35;
	v36 =	vmul.f32 v31, v37  }
0xf3: {  	s22 =	sor.u32 s22, s25;
	v39 =	vadd.f32 v42, v39;
	v42 =	vmul.f32 v24, v10;
	v37 =	vadd.f32 v33, v43  }
0xf4: {  	v31 =	vadd.f32 $1.258291200e+07, v28;
	v29 =	vadd.f32 v36, v29;
	v38 =	vmul.f32 v40, v8;
	[tilespmem:s22+$0x4000] =	vst v35;
	v24 =	vmovc v40  }
0xf5: {  	s24 =	sadd.s32 $0x10, s24;
	v39 =	vadd.f32 v39, v42;
	v36 =	vmul.f32 v25, v20;
	v35 =	vmul.f32 v24, v21;
	v33 =	vld.idx.msk [tilespmem:v41+s3+$0x0], $0xffff  }
0xf6: {  	v5 =	vadd.f32 v37, v38;
	v7 =	vmul.f32 v27, v12;
	_ =	sdelay $0x1  }
0xf7: {  	v5 =	vadd.f32 v5, v7  }
0xf8: {  	s5 =	sadd.s32 $0x10, s16  }
0xf9: {  	v7 =	vld [tilespmem:s5+$0x0];
	v8 =	vadd.f32 v5, v17  }
0xfa: {  	v12 =	vand.u32 $0x7FFFFF, v31;
	v5 =	vmul.f32 v23, v19  }
0xfb: {  	v16 =	vmul.f32 v27, v16;
	v30 =	vadd.f32 $-1.258291200e+07, v30;
	v17 =	vadd.f32 $1.258291200e+07, v8  }
0xfc: {  	v9 =	vmul.f32 v25, v9;
	v13 =	vmul.f32 v23, v13;
	v5 =	vadd.f32 v36, v5  }
0xfd: {  	v3 =	vmul.f32 v25, v3;
	v4 =	vmul.f32 v23, v4;
	v20 =	vand.u32 $0x7FFFFF, v17  }
0xfe: {  	v19 =	vadd.f32 v39, v32;
	v21 =	vadd.f32 v5, v35;
	v20 =	vsub.s32 v7, v20  }
0xff: {  	v12 =	vsub.s32 v22, v12;
	v9 =	vadd.f32 v9, v13;
	vm13 =	vgt.s32 v20, $0x1  }
0x100: {  	v5 =	vadd.f32 v19, v6;
	v16 =	vadd.f32 v21, v16;
	v19 =	vnsel vm13, $0x1, v20  }
0x101: {  	v13 =	vmul.f32 v24, v14;
	v21 =	vsub.f32 v26, v30;
	v19 =	vmin.u32 v19, $0x7FF  }
0x102: {  	v16 =	vadd.f32 v16, v18;
	v18 =	vshll.u32 v19, $0x3;
	v26 =	vadd.s32 $0xFFFFFFFF, v19  }
0x103: {  	v19 =	vand.u32 $0x7F, v19;
	v18 =	vand.u32 $0x3C00, v18;
	v30 =	vshll.u32 v26, $0x3  }
0x104: {  	v26 =	vand.u32 $0x7F, v26;
	v18 =	vor.u32 v19, v18;
	v19 =	vand.u32 $0x7FFFFC00, v30  }
0x105: {  	vm0 =	vgt.s32 v12, $0x1;
	v19 =	vor.u32 v26, v19  }
0x106: {  	v3 =	vadd.f32 v3, v4;
	v9 =	vadd.f32 v9, v13;
	v13 =	vmul.f32 v27, v15;
	v20 =	vld.idx.msk [tilespmem:v34+s3+$0x0], $0xffff  }
0x107: {  	v4 =	vmul.f32 v24, v10;
	v12 =	vnsel vm0, $0x1, v12;
	v26 =	vadd.f32 $1.258291200e+07, v16  }
0x108: {  	v2 =	vmul.f32 v27, v2;
	v12 =	vmin.u32 v12, $0x7FF;
	v9 =	vadd.f32 v9, v13  }
0x109: {  	v3 =	vadd.f32 v3, v4;
	v15 =	vadd.f32 $-1.258291200e+07, v17;
	v60 =	vand.u32 $0x7FFFFF, v26;
	v18 =	vld.idx.msk [tilespmem:v18+s3+$0x0], $0xffff  }
0x10a: {  	v58 =	vshll.u32 v12, $0x3;
	v9 =	vadd.f32 v9, v11;
	v14 =	vsub.s32 v7, v60;
	v19 =	vld.idx.msk [tilespmem:v19+s3+$0x0], $0xffff  }
0x10b: {  	v8 =	vsub.f32 v8, v15;
	v20 =	vsub.f32 v20, v33;
	vm14 =	vgt.s32 v14, $0x1  }
0x10c: {  	v30 =	vand.u32 $0x7F, v12;
	v12 =	vadd.s32 $0xFFFFFFFF, v12;
	v14 =	vnsel vm14, $0x1, v14  }
0x10d: {  	v59 =	vshll.u32 v12, $0x3;
	v17 =	vmul.f32 v21, v20;
	v14 =	vmin.u32 v14, $0x7FF  }
0x10e: {  	v13 =	vshll.u32 v14, $0x3;
	v15 =	vand.u32 $0x7F, v14;
	v14 =	vadd.s32 $0xFFFFFFFF, v14  }
0x10f: {  	v13 =	vand.u32 $0x3C00, v13;
	v21 =	vshll.u32 v14, $0x3;
	v19 =	vsub.f32 v19, v18  }
0x110: {  	v14 =	vand.u32 $0x7F, v14;
	v13 =	vor.u32 v13, v15;
	v15 =	vand.u32 $0x7FFFFC00, v21  }
0x111: {  	v13 =	vor.u32 $0x80, v13;
	v14 =	vor.u32 v15, v14;
	v8 =	vmul.f32 v8, v19  }
0x112: {  	s16 =	sadd.s32 $0x80, s17;
	v12 =	vand.u32 $0x7F, v12;
	v61 =	vand.u32 $0x7FFFFC00, v59;
	v14 =	vor.u32 $0x80, v14  }
0x113: {  	s17 =	sand.u32 $0x70, s19;
	s5 =	sand.u32 $0x3C00, s16;
	v32 =	vand.u32 $0x3C00, v58;
	v11 =	vor.u32 v61, v12;
	v8 =	vadd.f32 v8, v18  }
0x114: {  	s5 =	sor.u32 s17, s5;
	v30 =	vor.u32 v32, v30;
	v11 =	vor.u32 $0x100, v11;
	v18 =	vadd.f32 $1.258291200e+07, v9  }
0x115: {  	v20 =	vadd.f32 $1.258291200e+07, v5;
	v15 =	vor.u32 $0x100, v30;
	[tilespmem:s5+$0x4000] =	vst v8  }
0x116: {  	v2 =	vadd.f32 v3, v2;
	v17 =	vadd.f32 v17, v33;
	v10 =	vand.u32 $0x7FFFFF, v18;
	v8 =	vld.idx.msk [tilespmem:v13+s3+$0x0], $0xffff  }
0x117: {  	v4 =	vadd.f32 $-1.258291200e+07, v26;
	v12 =	vand.u32 $0x7FFFFF, v20;
	v13 =	vld.idx.msk [tilespmem:v14+s3+$0x0], $0xffff;
	v10 =	vsub.s32 v7, v10  }
0x118: {  	v2 =	vadd.f32 v2, v6;
	v12 =	vsub.s32 v22, v12;
	[tilespmem:s22+$0x4080] =	vst v17;
	vm1 =	vgt.s32 v10, $0x1  }
0x119: {  	v3 =	vsub.f32 v16, v4;
	vm15 =	vgt.s32 v12, $0x1;
	v11 =	vld.idx.msk [tilespmem:v11+s3+$0x0], $0xffff;
	v10 =	vnsel vm1, $0x1, v10  }
0x11a: {  	v12 =	vnsel vm15, $0x1, v12;
	v15 =	vld.idx.msk [tilespmem:v15+s3+$0x0], $0xffff;
	v14 =	vadd.f32 $-1.258291200e+07, v31;
	v4 =	vmin.u32 v10, $0x7FF  }
0x11b: {  	v10 =	vand.u32 $0x7F, v4;
	v16 =	vshll.u32 v4, $0x3;
	v4 =	vadd.s32 $0xFFFFFFFF, v4  }
0x11c: {  	v13 =	vsub.f32 v13, v8;
	v16 =	vand.u32 $0x3C00, v16;
	v17 =	vshll.u32 v4, $0x3  }
0x11d: {  	v4 =	vand.u32 $0x7F, v4;
	v10 =	vor.u32 v16, v10;
	v16 =	vand.u32 $0x7FFFFC00, v17  }
0x11e: {  	v3 =	vmul.f32 v3, v13;
	v10 =	vor.u32 $0x100, v10;
	v4 =	vor.u32 v16, v4  }
0x11f: {  	v6 =	vsub.f32 v28, v14;
	v11 =	vsub.f32 v11, v15;
	v4 =	vor.u32 $0x100, v4  }
0x120: {  	v12 =	vmin.u32 v12, $0x7FF;
	v3 =	vadd.f32 v3, v8  }
0x121: {  	v14 =	vadd.f32 $1.258291200e+07, v2;
	v6 =	vmul.f32 v11, v6;
	v11 =	vadd.f32 $-1.258291200e+07, v18  }
0x122: {  	v13 =	vand.u32 $0x7F, v12;
	v8 =	vshll.u32 v12, $0x3;
	v12 =	vadd.s32 $0xFFFFFFFF, v12;
	[tilespmem:s5+$0x4080] =	vst v3  }
0x123: {  	v16 =	vand.u32 $0x7F, v12;
	v3 =	vshll.u32 v12, $0x3;
	v12 =	vand.u32 $0x7FFFFF, v14;
	v10 =	vld.idx.msk [tilespmem:v10+s3+$0x0], $0xffff  }
0x124: {  	v6 =	vadd.f32 v6, v15;
	v9 =	vsub.f32 v9, v11;
	v7 =	vsub.s32 v7, v12;
	v4 =	vld.idx.msk [tilespmem:v4+s3+$0x0], $0xffff  }
0x125: {  	v8 =	vand.u32 $0x3C00, v8;
	v3 =	vand.u32 $0x7FFFFC00, v3;
	vm4 =	vgt.s32 v7, $0x1  }
0x126: {  	v8 =	vor.u32 v8, v13;
	v3 =	vor.u32 v3, v16;
	v7 =	vnsel vm4, $0x1, v7  }
0x127: {  	v8 =	vor.u32 $0x180, v8;
	v3 =	vor.u32 $0x180, v3;
	v7 =	vmin.u32 v7, $0x7FF  }
0x128: {  	v11 =	vand.u32 $0x7F, v7;
	v12 =	vshll.u32 v7, $0x3;
	v7 =	vadd.s32 $0xFFFFFFFF, v7  }
0x129: {  	v12 =	vand.u32 $0x3C00, v12;
	v13 =	vshll.u32 v7, $0x3;
	v4 =	vsub.f32 v4, v10  }
0x12a: {  	v7 =	vand.u32 $0x7F, v7;
	v11 =	vor.u32 v12, v11;
	v12 =	vand.u32 $0x7FFFFC00, v13  }
0x12b: {  	v7 =	vor.u32 v12, v7;
	v4 =	vmul.f32 v4, v9;
	v9 =	vor.u32 $0x180, v11  }
0x12c: {  	v7 =	vor.u32 $0x180, v7  }
0x12d: {  	[tilespmem:s22+$0x4100] =	vst v6;
	v4 =	vadd.f32 v4, v10  }
0x12e: {  	v6 =	vld.idx.msk [tilespmem:v8+s3+$0x0], $0xffff  }
0x12f: {  	v3 =	vld.idx.msk [tilespmem:v3+s3+$0x0], $0xffff;
	[tilespmem:s5+$0x4100] =	vst v4  }
0x130: {  	v4 =	vld.idx.msk [tilespmem:v9+s3+$0x0], $0xffff  }
0x131: {  	v7 =	vld.idx.msk [tilespmem:v7+s3+$0x0], $0xffff;
	_ =	sdelay $0x1  }
0x132: {  	v8 =	vadd.f32 $-1.258291200e+07, v20  }
0x133: {  	v9 =	vadd.f32 $-1.258291200e+07, v14  }
0x134: {  	v5 =	vsub.f32 v5, v8;
	v3 =	vsub.f32 v3, v6  }
0x135: {  	v2 =	vsub.f32 v2, v9;
	v7 =	vsub.f32 v7, v4  }
0x136: {  	v3 =	vmul.f32 v3, v5  }
0x137: {  	v2 =	vmul.f32 v7, v2  }
0x138: {  	v3 =	vadd.f32 v3, v6  }
0x139: {  	[tilespmem:s14+$0x4180] =	vst v29;
	v2 =	vadd.f32 v2, v4  }
0x13a: {  	s14 =	sadd.s32 s4, s15;
	s19 =	rddreg [dreg:$0x2];
	[tilespmem:s22+$0x4180] =	vst v3  }
0x13b: {  	s11 =	simm.s32 $0x4000;
	[tilespmem:s5+$0x4180] =	vst v2;
	s5 =	sadd.s32 s19, s14  }
0x13c: {  	[hbm4b:s5+s3] =	stream.linear.scatter [tilespmem:s11], [sflag:$0x3], $0x200, $0x38;
	[tilespmem:$0xAD00] =	vst v63  }
0x13d: {  	s21 =	simm.s32 $0x4400;
	s20 =	sadd.s32 $0x80, s5  }
0x13e: {  	[hbm4b:s20+s3] =	stream.linear.scatter [tilespmem:s21], [sflag:$0x3], $0x200, $0x38;
	[tilespmem:$0xAD00] =	vst v63  }
0x13f: {  	s23 =	simm.s32 $0x4800;
	s22 =	sadd.s32 $0x100, s5  }
0x140: {  	[hbm4b:s22+s3] =	stream.linear.scatter [tilespmem:s23], [sflag:$0x3], $0x200, $0x38;
	[tilespmem:$0xAD00] =	vst v63  }
0x141: {  	s25 =	simm.s32 $0x4C00;
	s24 =	sadd.s32 $0x180, s5  }
0x142: {  	[hbm4b:s24+s3] =	stream.linear.scatter [tilespmem:s25], [sflag:$0x3], $0x200, $0x38;
	[tilespmem:$0xAD00] =	vst v63  }
0x143: {  	s16 =	simm.s32 $0x5000;
	s13 =	sadd.s32 $0x200, s5  }
0x144: {  	[hbm4b:s13+s3] =	stream.linear.scatter [tilespmem:s16], [sflag:$0x3], $0x200, $0x38;
	[tilespmem:$0xAD00] =	vst v63  }
0x145: {  	s19 =	simm.s32 $0x5400;
	s17 =	sadd.s32 $0x280, s5  }
0x146: {  	[hbm4b:s17+s3] =	stream.linear.scatter [tilespmem:s19], [sflag:$0x3], $0x200, $0x38;
	[tilespmem:$0xAD00] =	vst v63  }
0x147: {  	s20 =	sadd.s32 $0x300, s5;
	s21 =	simm.s32 $0x5800  }
0x148: {  	[hbm4b:s20+s3] =	stream.linear.scatter [tilespmem:s21], [sflag:$0x3], $0x200, $0x38;
	[tilespmem:$0xAD00] =	vst v63  }
0x149: {  	s22 =	sadd.s32 $0x380, s5;
	s23 =	simm.s32 $0x5C00  }
0x14a: {  	[hbm4b:s22+s3] =	stream.linear.scatter [tilespmem:s23], [sflag:$0x3], $0x200, $0x38;
	[tilespmem:$0xAD00] =	vst v63  }
0x14b: {  	s24 =	sadd.s32 $0x400, s5;
	s25 =	simm.s32 $0x6000  }
0x14c: {  	[hbm4b:s24+s3] =	stream.linear.scatter [tilespmem:s25], [sflag:$0x3], $0x200, $0x38;
	[tilespmem:$0xAD00] =	vst v63  }
0x14d: {  	s13 =	sadd.s32 $0x480, s5;
	s16 =	simm.s32 $0x6400  }
0x14e: {  	[hbm4b:s13+s3] =	stream.linear.scatter [tilespmem:s16], [sflag:$0x3], $0x200, $0x38;
	[tilespmem:$0xAD00] =	vst v63  }
0x14f: {  	s17 =	sadd.s32 $0x500, s5;
	s19 =	simm.s32 $0x6800  }
0x150: {  	[hbm4b:s17+s3] =	stream.linear.scatter [tilespmem:s19], [sflag:$0x3], $0x200, $0x38;
	[tilespmem:$0xAD00] =	vst v63  }
0x151: {  	s20 =	sadd.s32 $0x580, s5;
	s21 =	simm.s32 $0x6C00  }
0x152: {  	[hbm4b:s20+s3] =	stream.linear.scatter [tilespmem:s21], [sflag:$0x3], $0x200, $0x38;
	[tilespmem:$0xAD00] =	vst v63  }
0x153: {  	s22 =	sadd.s32 $0x600, s5;
	s23 =	simm.s32 $0x7000  }
0x154: {  	[hbm4b:s22+s3] =	stream.linear.scatter [tilespmem:s23], [sflag:$0x3], $0x200, $0x38;
	[tilespmem:$0xAD00] =	vst v63  }
0x155: {  	s24 =	sadd.s32 $0x680, s5;
	s25 =	simm.s32 $0x7400  }
0x156: {  	[hbm4b:s24+s3] =	stream.linear.scatter [tilespmem:s25], [sflag:$0x3], $0x200, $0x38;
	[tilespmem:$0xAD00] =	vst v63  }
0x157: {  	s13 =	sadd.s32 $0x700, s5;
	s16 =	simm.s32 $0x7800  }
0x158: {  	[hbm4b:s13+s3] =	stream.linear.scatter [tilespmem:s16], [sflag:$0x3], $0x200, $0x38;
	[tilespmem:$0xAD00] =	vst v63  }
0x159: {  	p0 =	seq.s32 s1, $0x1F;
	s5 =	sadd.s32 $0x780, s5;
	s17 =	simm.s32 $0x7C00  }
0x15a: {  	[hbm4b:s5+s3] =	stream.linear.scatter [tilespmem:s17], [sflag:$0x3], $0x200, $0x38;
	[tilespmem:$0xAD00] =	vst v63  }
0x15b: {  	s15 =	simm.s32 @!p0 $0x0;
	s5 =	sadd.s32 @!p0 s14, s8  }
0x15c: {  	[tilespmem:s15], [sflag:$0x1] =	stream.linear.gather @!p0 [hbm4b:s5+s15], $0x200, $0x38;
	[tilespmem:$0xAD00] =	vst v63  }
0x15d: {  	s17 =	simm.s32 @!p0 $0x400;
	s16 =	sadd.s32 @!p0 $0x80, s5  }
0x15e: {  	[tilespmem:s17], [sflag:$0x1] =	stream.linear.gather @!p0 [hbm4b:s16+s15], $0x200, $0x38;
	[tilespmem:$0xAD00] =	vst v63  }
0x15f: {  	s16 =	sadd.s32 @!p0 $0x100, s5;
	s17 =	simm.s32 @!p0 $0x800  }
0x160: {  	[tilespmem:s17], [sflag:$0x1] =	stream.linear.gather @!p0 [hbm4b:s16+s15], $0x200, $0x38;
	[tilespmem:$0xAD00] =	vst v63  }
0x161: {  	s16 =	sadd.s32 @!p0 $0x180, s5;
	s17 =	simm.s32 @!p0 $0xC00  }
0x162: {  	[tilespmem:s17], [sflag:$0x1] =	stream.linear.gather @!p0 [hbm4b:s16+s15], $0x200, $0x38;
	[tilespmem:$0xAD00] =	vst v63  }
0x163: {  	s16 =	sadd.s32 @!p0 $0x200, s5;
	s17 =	simm.s32 @!p0 $0x1000  }
0x164: {  	[tilespmem:s17], [sflag:$0x1] =	stream.linear.gather @!p0 [hbm4b:s16+s15], $0x200, $0x38;
	[tilespmem:$0xAD00] =	vst v63  }
0x165: {  	s16 =	sadd.s32 @!p0 $0x280, s5;
	s17 =	simm.s32 @!p0 $0x1400  }
0x166: {  	[tilespmem:s17], [sflag:$0x1] =	stream.linear.gather @!p0 [hbm4b:s16+s15], $0x200, $0x38;
	[tilespmem:$0xAD00] =	vst v63  }
0x167: {  	s16 =	sadd.s32 @!p0 $0x300, s5;
	s17 =	simm.s32 @!p0 $0x1800  }
0x168: {  	[tilespmem:s17], [sflag:$0x1] =	stream.linear.gather @!p0 [hbm4b:s16+s15], $0x200, $0x38;
	[tilespmem:$0xAD00] =	vst v63  }
0x169: {  	s16 =	sadd.s32 @!p0 $0x380, s5;
	s17 =	simm.s32 @!p0 $0x1C00  }
0x16a: {  	[tilespmem:s17], [sflag:$0x1] =	stream.linear.gather @!p0 [hbm4b:s16+s15], $0x200, $0x38;
	[tilespmem:$0xAD00] =	vst v63  }
0x16b: {  	s16 =	sadd.s32 @!p0 $0x400, s5;
	s17 =	simm.s32 @!p0 $0x2000  }
0x16c: {  	[tilespmem:s17], [sflag:$0x1] =	stream.linear.gather @!p0 [hbm4b:s16+s15], $0x200, $0x38;
	[tilespmem:$0xAD00] =	vst v63  }
0x16d: {  	s16 =	sadd.s32 @!p0 $0x480, s5;
	s17 =	simm.s32 @!p0 $0x2400  }
0x16e: {  	[tilespmem:s17], [sflag:$0x1] =	stream.linear.gather @!p0 [hbm4b:s16+s15], $0x200, $0x38;
	[tilespmem:$0xAD00] =	vst v63  }
0x16f: {  	s16 =	sadd.s32 @!p0 $0x500, s5;
	s17 =	simm.s32 @!p0 $0x2800  }
0x170: {  	[tilespmem:s17], [sflag:$0x1] =	stream.linear.gather @!p0 [hbm4b:s16+s15], $0x200, $0x38;
	[tilespmem:$0xAD00] =	vst v63  }
0x171: {  	s16 =	sadd.s32 @!p0 $0x580, s5;
	s17 =	simm.s32 @!p0 $0x2C00  }
0x172: {  	[tilespmem:s17], [sflag:$0x1] =	stream.linear.gather @!p0 [hbm4b:s16+s15], $0x200, $0x38;
	[tilespmem:$0xAD00] =	vst v63  }
0x173: {  	s16 =	sadd.s32 @!p0 $0x600, s5;
	s17 =	simm.s32 @!p0 $0x3000  }
0x174: {  	[tilespmem:s17], [sflag:$0x1] =	stream.linear.gather @!p0 [hbm4b:s16+s15], $0x200, $0x38;
	[tilespmem:$0xAD00] =	vst v63  }
0x175: {  	s16 =	sadd.s32 @!p0 $0x680, s5;
	s17 =	simm.s32 @!p0 $0x3400  }
0x176: {  	[tilespmem:s17], [sflag:$0x1] =	stream.linear.gather @!p0 [hbm4b:s16+s15], $0x200, $0x38;
	[tilespmem:$0xAD00] =	vst v63  }
0x177: {  	s16 =	sadd.s32 @!p0 $0x700, s5;
	s17 =	simm.s32 @!p0 $0x3800  }
0x178: {  	[tilespmem:s17], [sflag:$0x1] =	stream.linear.gather @!p0 [hbm4b:s16+s15], $0x200, $0x38;
	[tilespmem:$0xAD00] =	vst v63  }
0x179: {  	s5 =	sadd.s32 @!p0 $0x780, s5;
	s16 =	simm.s32 @!p0 $0x3C00  }
0x17a: {  	[tilespmem:s16], [sflag:$0x1] =	stream.linear.gather @!p0 [hbm4b:s5+s15], $0x200, $0x38;
	[tilespmem:$0xAD00] =	vst v63  }
0x17b: {  	s19 =	sadd.s32 $0x14, s0;
	_ =	swait.ge [sflag:s18], $0x2000  }
0x17c: {  	v4 =	vmov s19;
	[sflag:s18] =	ssyncset.done $0x0  }
0x17d: {  	v3 =	vor.u32 $0x1, v4;
	s5 =	simm.s32 @!p1 $0x4;
	[sflag:s18] =	ssyncadd.s32 $0xFFFFE000  }
0x17e: {  	v5 =	vor.u32 $0x2, v4;
	_ =	swait.ge @!p1 [sflag:s5], $0x2000  }
0x17f: {  	v6 =	vor.u32 $0x3, v4;
	[sflag:s5] =	ssyncset.done @!p1 $0x0  }
0x180: {  	[sflag:s5] =	ssyncadd.s32 @!p1 $0xFFFFE000  }
0x181: {  	v2 =	vld.idx.msk [tilespmem:v4+s12+$0x0], $0xffff  }
0x182: {  	v7 =	vadd.s32 $0x4, v4;
	v3 =	vld.idx.msk [tilespmem:v3+s12+$0x0], $0xffff  }
0x183: {  	s20 =	sadd.s32 $0x1E, s0;
	v4 =	vld.idx.msk [tilespmem:v5+s12+$0x0], $0xffff  }
0x184: {  	s21 =	simm.s32 $0x9500;
	v11 =	vmov s20;
	v5 =	vld.idx.msk [tilespmem:v6+s12+$0x0], $0xffff  }
0x185: {  	s22 =	simm.s32 $0x9D00;
	s23 =	sadd.s32 $0x19, s0;
	v19 =	vld [tilespmem:s21+$0x0]  }
0x186: {  	v8 =	vor.u32 $0x1, v11;
	v12 =	vmov s23;
	v20 =	vld [tilespmem:s22+$0x0]  }
0x187: {  	s24 =	simm.s32 $0x8D00;
	v13 =	vadd.s32 $0x1, v12;
	v6 =	vld.idx.msk [tilespmem:v7+s12+$0x0], $0xffff  }
0x188: {  	v15 =	vor.u32 $0x2, v12;
	v21 =	vld [tilespmem:s24+$0x0]  }
0x189: {  	v10 =	vadd.s32 $0x2, v11;
	s25 =	simm.s32 $0x8500;
	v7 =	vld.idx.msk [tilespmem:v11+s12+$0x0], $0xffff  }
0x18a: {  	v22 =	vld [tilespmem:s25+$0x0]  }
0x18b: {  	v14 =	vadd.s32 $0x3, v11;
	v8 =	vld.idx.msk [tilespmem:v8+s12+$0x0], $0xffff  }
0x18c: {  	v23 =	vadd.s32 $0x4, v11;
	v11 =	vld.idx.msk [tilespmem:v13+s12+$0x0], $0xffff  }
0x18d: {  	v13 =	vld.idx.msk [tilespmem:v15+s12+$0x0], $0xffff;
	v16 =	vmul.f32 v19, v3;
	v17 =	vmul.f32 v20, v2  }
0x18e: {  	v18 =	vadd.s32 $0x3, v12;
	v10 =	vld.idx.msk [tilespmem:v10+s12+$0x0], $0xffff  }
0x18f: {  	v9 =	vld.idx.msk [tilespmem:v12+s12+$0x0], $0xffff;
	v24 =	vmul.f32 v21, v4;
	v16 =	vadd.f32 v17, v16  }
0x190: {  	s11 =	sadd.s32 $0x23, s0;
	s16 =	simm.s32 $0x8D10;
	v26 =	vmul.f32 v19, v8;
	v27 =	vmul.f32 v20, v7;
	v17 =	vor.u32 $0x4, v12;
	v12 =	vld.idx.msk [tilespmem:v14+s12+$0x0], $0xffff  }
0x191: {  	v40 =	vld [tilespmem:s16+$0x0];
	v25 =	vmul.f32 v22, v5;
	v16 =	vadd.f32 v16, v24;
	v24 =	vmov s11  }
0x192: {  	v15 =	vld.idx.msk [tilespmem:v23+s12+$0x0], $0xffff;
	v30 =	vmul.f32 v21, v13;
	v23 =	vadd.f32 v27, v26  }
0x193: {  	s13 =	simm.s32 $0xA500;
	v14 =	vld.idx.msk [tilespmem:v18+s12+$0x0], $0xffff;
	v18 =	vadd.s32 $0x1, v24;
	v16 =	vadd.f32 v16, v25;
	v25 =	vmul.f32 v21, v10  }
0x194: {  	v28 =	vld [tilespmem:s13+$0x0];
	v26 =	vmul.f32 v19, v11;
	v27 =	vmul.f32 v20, v9  }
0x195: {  	v29 =	vadd.f32 v16, v6;
	v16 =	vld.idx.msk [tilespmem:v17+s12+$0x0], $0xffff;
	v23 =	vadd.f32 v23, v25;
	v25 =	vmul.f32 v22, v12  }
0x196: {  	v56 =	vmul.f32 v40, v4;
	v57 =	vmul.f32 v40, v10;
	v26 =	vadd.f32 v27, v26;
	v17 =	vld.idx.msk [tilespmem:v24+s12+$0x0], $0xffff  }
0x197: {  	v31 =	vadd.s32 $0x3, v24;
	v27 =	vadd.f32 $1.258291200e+07, v29;
	v23 =	vadd.f32 v23, v25  }
0x198: {  	v62 =	vadd.s32 $0x2, v24;
	v26 =	vadd.f32 v26, v30;
	v18 =	vld.idx.msk [tilespmem:v18+s12+$0x0], $0xffff;
	v25 =	vmul.f32 v22, v14  }
0x199: {  	v24 =	vor.u32 $0x4, v24;
	v30 =	vand.u32 $0x7FFFFF, v27;
	v23 =	vadd.f32 v23, v15  }
0x19a: {  	v25 =	vadd.f32 v26, v25;
	v27 =	vadd.f32 $-1.258291200e+07, v27;
	v30 =	vsub.s32 v28, v30  }
0x19b: {  	vm5 =	vgt.s32 v30, $0x1;
	v26 =	vmul.f32 v20, v17;
	v63 =	vadd.f32 $1.258291200e+07, v23  }
0x19c: {  	v25 =	vadd.f32 v25, v16;
	v27 =	vsub.f32 v29, v27;
	v20 =	vnsel vm5, $0x1, v30  }
0x19d: {  	v30 =	vmul.f32 v19, v18;
	v19 =	vld.idx.msk [tilespmem:v31+s12+$0x0], $0xffff;
	v41 =	vmin.u32 v20, $0x7FF;
	v31 =	vand.u32 $0x7FFFFF, v63  }
0x19e: {  	v48 =	vadd.f32 $1.258291200e+07, v25;
	v42 =	vshll.u32 v41, $0x3;
	v43 =	vadd.s32 $0xFFFFFFFF, v41  }
0x19f: {  	v20 =	vld.idx.msk [tilespmem:v62+s12+$0x0], $0xffff;
	v44 =	vand.u32 $0x7F, v41;
	v31 =	vsub.s32 v28, v31;
	v26 =	vadd.f32 v26, v30  }
0x1a0: {  	v45 =	vand.u32 $0x3C00, v42;
	v46 =	vshll.u32 v43, $0x3;
	v36 =	vand.u32 $0x7F, v43  }
0x1a1: {  	vm6 =	vgt.s32 v31, $0x1;
	v35 =	vadd.f32 $-1.258291200e+07, v48;
	v42 =	vmul.f32 v40, v13  }
0x1a2: {  	s17 =	simm.s32 $0x9D10;
	v32 =	vor.u32 v45, v44;
	v47 =	vand.u32 $0x7FFFFC00, v46;
	v30 =	vnsel vm6, $0x1, v31  }
0x1a3: {  	v41 =	vld [tilespmem:s17+$0x0];
	v32 =	vor.u32 $0x200, v32;
	v33 =	vor.u32 v47, v36;
	v30 =	vmin.u32 v30, $0x7FF  }
0x1a4: {  	v33 =	vor.u32 $0x200, v33;
	v31 =	vmul.f32 v21, v20;
	v21 =	vand.u32 $0x7FFFFF, v48  }
0x1a5: {  	v22 =	vmul.f32 v22, v19;
	v49 =	vadd.s32 $0xFFFFFFFF, v30;
	v21 =	vsub.s32 v28, v21  }
0x1a6: {  	v50 =	vand.u32 $0x7F, v30;
	v30 =	vshll.u32 v30, $0x3;
	vm7 =	vgt.s32 v21, $0x1  }
0x1a7: {  	v29 =	vand.u32 $0x3C00, v30;
	v36 =	vand.u32 $0x7F, v49;
	v30 =	vnsel vm7, $0x1, v21;
	v21 =	vld.idx.msk [tilespmem:v24+s12+$0x0], $0xffff  }
0x1a8: {  	v43 =	vmul.f32 v41, v7;
	v44 =	vmul.f32 v41, v9;
	v26 =	vadd.f32 v26, v31;
	v51 =	vld.idx.msk [tilespmem:v32+s3+$0x0], $0xffff  }
0x1a9: {  	s15 =	simm.s32 $0x9510;
	v24 =	vor.u32 v29, v50;
	v29 =	vshll.u32 v49, $0x3;
	v30 =	vmin.u32 v30, $0x7FF;
	v52 =	vld.idx.msk [tilespmem:v33+s3+$0x0], $0xffff  }
0x1aa: {  	v29 =	vand.u32 $0x7FFFFC00, v29;
	v22 =	vadd.f32 v26, v22;
	v26 =	vld [tilespmem:s15+$0x0];
	v31 =	vand.u32 $0x7F, v30  }
0x1ab: {  	s19 =	simm.s32 $0x8510;
	v53 =	vshll.u32 v30, $0x3;
	v30 =	vadd.s32 $0xFFFFFFFF, v30;
	v39 =	vor.u32 v29, v36  }
0x1ac: {  	v36 =	vsub.f32 v25, v35;
	v25 =	vld [tilespmem:s19+$0x0];
	v29 =	vadd.f32 $-1.258291200e+07, v63;
	v33 =	vand.u32 $0x3C00, v53  }
0x1ad: {  	v54 =	vand.u32 $0x7F, v30;
	v30 =	vshll.u32 v30, $0x3;
	v31 =	vor.u32 v33, v31  }
0x1ae: {  	v30 =	vand.u32 $0x7FFFFC00, v30;
	v33 =	vadd.f32 v22, v21;
	v32 =	vsub.f32 v52, v51  }
0x1af: {  	v39 =	vor.u32 $0x300, v39;
	v37 =	vor.u32 v30, v54;
	v30 =	vmul.f32 v26, v8  }
0x1b0: {  	v55 =	vmul.f32 v26, v11;
	v22 =	vmul.f32 v27, v32;
	v27 =	vadd.f32 $1.258291200e+07, v33  }
0x1b1: {  	v37 =	vor.u32 $0x280, v37;
	v45 =	vmul.f32 v25, v19;
	v59 =	vmul.f32 v25, v12  }
0x1b2: {  	v30 =	vadd.f32 v43, v30;
	v34 =	vadd.f32 v22, v51;
	v22 =	vand.u32 $0x7FFFFF, v27  }
0x1b3: {  	v35 =	vadd.f32 v44, v55;
	v32 =	vor.u32 $0x280, v31;
	v22 =	vsub.s32 v28, v22  }
0x1b4: {  	v31 =	vmul.f32 v26, v3;
	v28 =	vmul.f32 v41, v2;
	vm8 =	vgt.s32 v22, $0x1  }
0x1b5: {  	v30 =	vadd.f32 v30, v57;
	v35 =	vadd.f32 v35, v42;
	v22 =	vnsel vm8, $0x1, v22  }
0x1b6: {  	v28 =	vadd.f32 v28, v31;
	v31 =	vmul.f32 v25, v5;
	v25 =	vmul.f32 v25, v14  }
0x1b7: {  	v58 =	vmin.u32 v22, $0x7FF;
	v22 =	vsub.f32 v23, v29;
	v29 =	vadd.f32 v30, v59  }
0x1b8: {  	v26 =	vmul.f32 v26, v18;
	v28 =	vadd.f32 v28, v56;
	v23 =	vand.u32 $0x7F, v58  }
0x1b9: {  	s20 =	simm.s32 $0xA510;
	v30 =	vadd.s32 $0xFFFFFFFF, v58;
	v25 =	vadd.f32 v35, v25;
	v35 =	vadd.f32 v29, v15  }
0x1ba: {  	v42 =	vld [tilespmem:s20+$0x0];
	v29 =	vshll.u32 v58, $0x3;
	v61 =	vshll.u32 v30, $0x3;
	v28 =	vadd.f32 v28, v31  }
0x1bb: {  	v31 =	vmul.f32 v41, v17;
	v25 =	vadd.f32 v25, v16;
	v62 =	vand.u32 $0x3C00, v29  }
0x1bc: {  	v29 =	vmul.f32 v40, v20;
	v41 =	vand.u32 $0x7FFFFC00, v61;
	v43 =	vadd.f32 $1.258291200e+07, v35  }
0x1bd: {  	v61 =	vor.u32 v62, v23;
	v28 =	vadd.f32 v28, v6;
	v63 =	vadd.f32 $1.258291200e+07, v25  }
0x1be: {  	v26 =	vadd.f32 v31, v26;
	v46 =	vand.u32 $0x7FFFFF, v43;
	v43 =	vadd.f32 $-1.258291200e+07, v43  }
0x1bf: {  	v60 =	vadd.f32 $1.258291200e+07, v28;
	v46 =	vsub.s32 v42, v46;
	v47 =	vand.u32 $0x7FFFFF, v63  }
0x1c0: {  	v26 =	vadd.f32 v26, v29;
	v40 =	vadd.f32 $-1.258291200e+07, v63;
	vm10 =	vgt.s32 v46, $0x1  }
0x1c1: {  	v47 =	vsub.s32 v42, v47;
	v31 =	vand.u32 $0x7FFFFF, v60;
	v38 =	vadd.f32 $-1.258291200e+07, v60  }
0x1c2: {  	v46 =	vnsel vm10, $0x1, v46;
	vm11 =	vgt.s32 v47, $0x1;
	v31 =	vsub.s32 v42, v31  }
0x1c3: {  	v60 =	vand.u32 $0x7F, v30;
	v26 =	vadd.f32 v26, v45;
	vm9 =	vgt.s32 v31, $0x1  }
0x1c4: {  	v30 =	vsub.f32 v25, v40;
	v46 =	vmin.u32 v46, $0x7FF;
	v31 =	vnsel vm9, $0x1, v31  }
0x1c5: {  	v57 =	vnsel vm11, $0x1, v47;
	v25 =	vor.u32 v41, v60;
	v31 =	vmin.u32 v31, $0x7FF  }
0x1c6: {  	v41 =	vor.u32 $0x300, v24;
	v48 =	vshll.u32 v31, $0x3;
	v49 =	vadd.s32 $0xFFFFFFFF, v31  }
0x1c7: {  	s17 =	simm.s32 $0x8520;
	v31 =	vand.u32 $0x7F, v31;
	v48 =	vand.u32 $0x3C00, v48;
	v50 =	vshll.u32 v49, $0x3  }
0x1c8: {  	v44 =	vld [tilespmem:s17+$0x0];
	v49 =	vand.u32 $0x7F, v49;
	v31 =	vor.u32 v48, v31;
	v54 =	vand.u32 $0x7FFFFC00, v50  }
0x1c9: {  	s21 =	simm.s32 $0x9520;
	v24 =	vadd.f32 $-1.258291200e+07, v27;
	v31 =	vor.u32 $0x200, v31;
	v48 =	vor.u32 v54, v49  }
0x1ca: {  	s22 =	simm.s32 $0x9D20;
	v40 =	vld [tilespmem:s21+$0x0];
	v55 =	vadd.s32 $0xFFFFFFFF, v46;
	v56 =	vand.u32 $0x7F, v46;
	v48 =	vor.u32 $0x200, v48  }
0x1cb: {  	v45 =	vld [tilespmem:s22+$0x0];
	v46 =	vshll.u32 v46, $0x3;
	v38 =	vsub.f32 v28, v38;
	v23 =	vadd.f32 v26, v21  }
0x1cc: {  	v26 =	vor.u32 $0x380, v61;
	v28 =	vand.u32 $0x3C00, v46;
	v58 =	vshll.u32 v55, $0x3  }
0x1cd: {  	v46 =	vmin.u32 v57, $0x7FF;
	v24 =	vsub.f32 v33, v24;
	v57 =	vmul.f32 v44, v14  }
0x1ce: {  	v28 =	vor.u32 v28, v56;
	v47 =	vand.u32 $0x7FFFFC00, v58;
	v51 =	vshll.u32 v46, $0x3;
	v59 =	vld.idx.msk [tilespmem:v31+s3+$0x0], $0xffff  }
0x1cf: {  	v51 =	vand.u32 $0x3C00, v51;
	v33 =	vmul.f32 v40, v8;
	v63 =	vmul.f32 v40, v3;
	v48 =	vld.idx.msk [tilespmem:v48+s3+$0x0], $0xffff  }
0x1d0: {  	v60 =	vmul.f32 v45, v2;
	v31 =	vand.u32 $0x7F, v46;
	v46 =	vadd.s32 $0xFFFFFFFF, v46  }
0x1d1: {  	s16 =	simm.s32 $0x8D20;
	v53 =	vmul.f32 v45, v7;
	v52 =	vand.u32 $0x7F, v46;
	v46 =	vshll.u32 v46, $0x3  }
0x1d2: {  	v56 =	vmul.f32 v45, v9;
	v51 =	vor.u32 v51, v31;
	v31 =	vand.u32 $0x7FFFFC00, v46;
	v46 =	vld [tilespmem:s16+$0x0]  }
0x1d3: {  	v27 =	vadd.f32 $1.258291200e+07, v23;
	v45 =	vmul.f32 v45, v17;
	v50 =	vmul.f32 v40, v11  }
0x1d4: {  	v33 =	vadd.f32 v53, v33;
	v40 =	vmul.f32 v40, v18;
	v62 =	vsub.f32 v48, v59  }
0x1d5: {  	s0 =	simm.s32 $0x0;
	v49 =	vand.u32 $0x7F, v55;
	v54 =	vmul.f32 v44, v5;
	v55 =	vmul.f32 v44, v19  }
0x1d6: {  	s23 =	sand.u32 $0x70, s0;
	s24 =	sand.u32 $0x3C00, s0;
	v44 =	vmul.f32 v44, v12;
	v29 =	vor.u32 v47, v49;
	v38 =	vmul.f32 v38, v62  }
0x1d7: {  	s15 =	sor.u32 s23, s24;
	v50 =	vadd.f32 v56, v50;
	v40 =	vadd.f32 v45, v40;
	v61 =	vmul.f32 v46, v4  }
0x1d8: {  	[tilespmem:s15+$0x4200] =	vst v34;
	v62 =	vmul.f32 v46, v13;
	v47 =	vadd.f32 v38, v59;
	v38 =	vadd.f32 v60, v63  }
0x1d9: {  	v49 =	vld.idx.msk [tilespmem:v32+s3+$0x0], $0xffff;
	v48 =	vor.u32 $0x280, v51;
	v59 =	vand.u32 $0x7FFFFF, v27;
	v63 =	vmul.f32 v46, v10  }
0x1da: {  	v60 =	vld.idx.msk [tilespmem:v37+s3+$0x0], $0xffff;
	v42 =	vsub.s32 v42, v59;
	v59 =	vadd.f32 v50, v62;
	v38 =	vadd.f32 v38, v61  }
0x1db: {  	vm12 =	vgt.s32 v42, $0x1;
	v58 =	vadd.f32 v33, v63;
	v33 =	vsub.f32 v35, v43  }
0x1dc: {  	v42 =	vnsel vm12, $0x1, v42;
	v43 =	vadd.f32 v59, v57;
	v38 =	vadd.f32 v38, v54  }
0x1dd: {  	s19 =	simm.s32 $0xA520;
	v46 =	vmul.f32 v46, v20;
	v42 =	vmin.u32 v42, $0x7FF;
	v44 =	vadd.f32 v58, v44  }
0x1de: {  	v34 =	vld [tilespmem:s19+$0x0];
	v35 =	vand.u32 $0x7F, v42;
	v53 =	vadd.f32 v43, v16;
	v51 =	vadd.f32 v38, v6  }
0x1df: {  	v50 =	vadd.s32 $0xFFFFFFFF, v42;
	v32 =	vadd.f32 v44, v15;
	v44 =	vsub.f32 v60, v49  }
0x1e0: {  	v42 =	vshll.u32 v42, $0x3;
	v54 =	vadd.f32 $1.258291200e+07, v53;
	v61 =	vadd.f32 $1.258291200e+07, v51  }
0x1e1: {  	v38 =	vand.u32 $0x3C00, v42;
	v37 =	vadd.f32 $1.258291200e+07, v32;
	v36 =	vmul.f32 v36, v44  }
0x1e2: {  	v63 =	vand.u32 $0x7FFFFF, v54;
	v43 =	vadd.f32 $-1.258291200e+07, v61;
	v42 =	vand.u32 $0x7FFFFF, v61  }
0x1e3: {  	v62 =	vand.u32 $0x7FFFFF, v37;
	v56 =	vsub.s32 v34, v63;
	v42 =	vsub.s32 v34, v42  }
0x1e4: {  	v36 =	vadd.f32 v36, v49;
	v45 =	vsub.s32 v34, v62;
	vm13 =	vgt.s32 v42, $0x1  }
0x1e5: {  	vm15 =	vgt.s32 v56, $0x1;
	vm14 =	vgt.s32 v45, $0x1;
	v42 =	vnsel vm13, $0x1, v42  }
0x1e6: {  	v59 =	vnsel vm15, $0x1, v56;
	v45 =	vnsel vm14, $0x1, v45;
	v42 =	vmin.u32 v42, $0x7FF  }
0x1e7: {  	v45 =	vmin.u32 v45, $0x7FF;
	v60 =	vand.u32 $0x7F, v42;
	v57 =	vshll.u32 v42, $0x3  }
0x1e8: {  	[tilespmem:s15+$0x4280] =	vst v36;
	v42 =	vadd.s32 $0xFFFFFFFF, v42;
	v61 =	vadd.s32 $0xFFFFFFFF, v45;
	v62 =	vand.u32 $0x7F, v45  }
0x1e9: {  	v63 =	vshll.u32 v45, $0x3;
	v45 =	vsub.f32 v51, v43;
	v51 =	vld.idx.msk [tilespmem:v39+s3+$0x0], $0xffff;
	v39 =	vmin.u32 v59, $0x7FF  }
0x1ea: {  	v57 =	vand.u32 $0x3C00, v57;
	v58 =	vand.u32 $0x7F, v42;
	v42 =	vshll.u32 v42, $0x3  }
0x1eb: {  	v43 =	vld.idx.msk [tilespmem:v41+s3+$0x0], $0xffff;
	v41 =	vand.u32 $0x7F, v61;
	v44 =	vor.u32 v57, v60;
	v42 =	vand.u32 $0x7FFFFC00, v42  }
0x1ec: {  	s25 =	simm.s32 $0x10;
	s24 =	simm.s32 $0x80;
	v60 =	vshll.u32 v61, $0x3;
	v49 =	vor.u32 $0x200, v44;
	v42 =	vor.u32 v42, v58  }
0x1ed: {  	s5 =	sand.u32 $0x70, s25;
	s20 =	sand.u32 $0x3C00, s24;
	v61 =	vand.u32 $0x7F, v39;
	v58 =	vand.u32 $0x3C00, v63;
	v42 =	vor.u32 $0x200, v42  }
0x1ee: {  	s23 =	sor.u32 s5, s20;
	v44 =	vor.u32 v58, v62;
	v62 =	vshll.u32 v39, $0x3;
	v39 =	vadd.s32 $0xFFFFFFFF, v39  }
0x1ef: {  	[tilespmem:s23+$0x4200] =	vst v47;
	v36 =	vand.u32 $0x7FFFFC00, v60;
	v63 =	vand.u32 $0x7F, v39;
	v39 =	vshll.u32 v39, $0x3  }
0x1f0: {  	v60 =	vand.u32 $0x7FFFFC00, v39;
	v39 =	vor.u32 v36, v41;
	v36 =	vld.idx.msk [tilespmem:v48+s3+$0x0], $0xffff  }
0x1f1: {  	v31 =	vor.u32 v31, v52;
	v57 =	vand.u32 $0x3C00, v62;
	v62 =	vadd.f32 v40, v46;
	v46 =	vld.idx.msk [tilespmem:v49+s3+$0x0], $0xffff  }
0x1f2: {  	v52 =	vshll.u32 v50, $0x3;
	v48 =	vor.u32 v60, v63;
	v63 =	vand.u32 $0x7F, v50;
	v50 =	vld.idx.msk [tilespmem:v42+s3+$0x0], $0xffff  }
0x1f3: {  	s28 =	simm.s32 $0x30;
	v47 =	vor.u32 v57, v61;
	v61 =	vadd.f32 $-1.258291200e+07, v54  }
0x1f4: {  	s29 =	simm.s32 $0x9530;
	s25 =	simm.s32 $0x20;
	s5 =	simm.s32 $0x9D30;
	v25 =	vor.u32 $0x380, v25;
	v52 =	vand.u32 $0x7FFFFC00, v52;
	v49 =	vsub.f32 v51, v43  }
0x1f5: {  	s20 =	simm.s32 $0x80;
	s22 =	simm.s32 $0x1;
	s21 =	simm.s32 $0x0;
	v40 =	vsub.f32 v53, v61;
	v41 =	vor.u32 v52, v63;
	v42 =	vadd.f32 v62, v55  }
.LBB2_7:
0x1f6: {  	v51 =	vld [tilespmem:s29+$0x0];
	s17 =	sadd.s32 $0x10, s17;
	s16 =	sadd.s32 $0x10, s16;
	v35 =	vor.u32 v38, v35;
	v38 =	vor.u32 $0x380, v41;
	s24 =	sadd.s32 $0x80, s24;
	v49 =	vmul.f32 v49, v22;
	v22 =	vmovc v33  }
0x1f7: {  	p1 =	sne.s32 s28, $0x7F0;
	v33 =	vsub.f32 v50, v46;
	s11 =	smov.u32 s28;
	s28 =	sadd.s32 $0x10, s28;
	v52 =	vld [tilespmem:s16+$0x0];
	v42 =	vadd.f32 v42, v21;
	v35 =	vor.u32 $0x380, v35  }
0x1f8: {  	v41 =	vor.u32 $0x300, v28;
	v53 =	vadd.f32 $-1.258291200e+07, v27;
	v28 =	vmovc v44;
	v50 =	vld [tilespmem:s5+$0x0];
	v43 =	vadd.f32 v49, v43  }
0x1f9: {  	v44 =	vor.u32 $0x280, v47;
	v33 =	vmul.f32 v45, v33;
	v27 =	vadd.f32 $1.258291200e+07, v42  }
0x1fa: {  	v37 =	vadd.f32 $-1.258291200e+07, v37;
	v47 =	vor.u32 $0x280, v31;
	v31 =	vmovc v48;
	v49 =	vsub.f32 v23, v53;
	v23 =	vmovc v42;
	v45 =	vld [tilespmem:s17+$0x0];
	[tilespmem:s15+$0x4300] =	vst v43;
	s15 =	smov.u32 s23  }
0x1fb: {  	s13 =	sand.u32 $0x3C00, s24;
	s23 =	sand.u32 $0x70, s25;
	v33 =	vadd.f32 v33, v46;
	s25 =	smov.u32 s11;
	v43 =	vmul.f32 v51, v8;
	v42 =	vand.u32 $0x7FFFFF, v27;
	v46 =	vld.idx.msk [tilespmem:v26+s3+$0x0], $0xffff;
	v26 =	vmovc v35  }
0x1fc: {  	v35 =	vmul.f32 v51, v3;
	v48 =	vmul.f32 v51, v11;
	s23 =	sor.u32 s23, s13;
	v34 =	vsub.s32 v34, v42;
	v53 =	vld.idx.msk [tilespmem:v25+s3+$0x0], $0xffff  }
0x1fd: {  	v55 =	vmul.f32 v52, v4;
	v25 =	vmovc v38;
	v54 =	vmul.f32 v50, v2;
	[tilespmem:s23+$0x4200] =	vst v33;
	vm0 =	vgt.s32 v34, $0x1  }
0x1fe: {  	v38 =	vmul.f32 v52, v13;
	v56 =	vmul.f32 v50, v7;
	v44 =	vld.idx.msk [tilespmem:v44+s3+$0x0], $0xffff;
	v33 =	vnsel vm0, $0x1, v34  }
0x1ff: {  	v57 =	vmul.f32 v45, v5;
	v42 =	vmul.f32 v45, v19;
	v58 =	vmin.u32 v33, $0x7FF  }
0x200: {  	v34 =	vmul.f32 v50, v9;
	v59 =	vmul.f32 v45, v14;
	v33 =	vsub.f32 v32, v37  }
0x201: {  	v32 =	vadd.f32 v54, v35;
	v37 =	vadd.f32 v56, v43;
	v43 =	vmul.f32 v52, v10  }
0x202: {  	s19 =	sadd.s32 $0x10, s19;
	v48 =	vadd.f32 v34, v48;
	v35 =	vand.u32 $0x7F, v58;
	v54 =	vadd.s32 $0xFFFFFFFF, v58  }
0x203: {  	v32 =	vadd.f32 v32, v55;
	v37 =	vadd.f32 v37, v43;
	v43 =	vmul.f32 v45, v12;
	v34 =	vld [tilespmem:s19+$0x0]  }
0x204: {  	v45 =	vmul.f32 v50, v17;
	v38 =	vadd.f32 v48, v38;
	v48 =	vsub.f32 v53, v46  }
0x205: {  	v32 =	vadd.f32 v32, v57;
	v37 =	vadd.f32 v37, v43;
	v43 =	vshll.u32 v58, $0x3  }
0x206: {  	s11 =	sand.u32 $0x7, s0;
	s0 =	smov.u32 s22;
	v50 =	vmul.f32 v51, v18;
	v38 =	vadd.f32 v38, v59;
	v48 =	vmul.f32 v48, v24;
	v24 =	vmovc v49  }
0x207: {  	s11 =	sshll.u32 s11, $0x4;
	v51 =	vshll.u32 v54, $0x3;
	v49 =	vadd.f32 v32, v6;
	v32 =	vadd.f32 v37, v15;
	v47 =	vld.idx.msk [tilespmem:v47+s3+$0x0], $0xffff  }
0x208: {  	s11 =	sadd.s32 s11, s21;
	s21 =	smov.u32 s20;
	s20 =	smov.u32 s24;
	v55 =	vadd.f32 v45, v50;
	v53 =	vadd.f32 v38, v16;
	v38 =	vand.u32 $0x3C00, v43  }
0x209: {  	s11 =	sor.u32 $0x380, s11;
	v52 =	vmul.f32 v52, v20;
	v43 =	vadd.f32 $1.258291200e+07, v49;
	v37 =	vadd.f32 $1.258291200e+07, v32  }
0x20a: {  	v50 =	vor.u32 $0x300, v29;
	v29 =	vmovc v39;
	v45 =	vadd.f32 v48, v46;
	v56 =	vadd.f32 $1.258291200e+07, v53  }
0x20b: {  	v39 =	vadd.f32 $-1.258291200e+07, v43;
	v43 =	vand.u32 $0x7FFFFF, v43;
	v46 =	vand.u32 $0x7FFFFF, v37  }
0x20c: {  	v43 =	vsub.s32 v34, v43;
	v48 =	vand.u32 $0x7FFFFF, v56;
	v46 =	vsub.s32 v34, v46;
	[tilespmem:s11+$0x4000] =	vst v45  }
0x20d: {  	vm0 =	vgt.s32 v43, $0x1;
	vm1 =	vgt.s32 v46, $0x1;
	v45 =	vsub.f32 v47, v36  }
0x20e: {  	v43 =	vnsel vm0, $0x1, v43;
	v47 =	vsub.s32 v34, v48;
	v46 =	vnsel vm1, $0x1, v46  }
0x20f: {  	v43 =	vmin.u32 v43, $0x7FF;
	v46 =	vmin.u32 v46, $0x7FF;
	v45 =	vmul.f32 v30, v45;
	v30 =	vmovc v40  }
0x210: {  	v40 =	vand.u32 $0x7F, v43;
	v48 =	vshll.u32 v43, $0x3;
	v43 =	vadd.s32 $0xFFFFFFFF, v43  }
0x211: {  	v48 =	vand.u32 $0x3C00, v48;
	v57 =	vand.u32 $0x7F, v43;
	v43 =	vshll.u32 v43, $0x3  }
0x212: {  	v40 =	vor.u32 v48, v40;
	v43 =	vand.u32 $0x7FFFFC00, v43;
	v45 =	vadd.f32 v45, v36;
	v36 =	vmovc v44  }
0x213: {  	v48 =	vadd.s32 $0xFFFFFFFF, v46;
	v40 =	vor.u32 $0x200, v40;
	v43 =	vor.u32 v43, v57  }
0x214: {  	v44 =	vshll.u32 v46, $0x3;
	v57 =	vor.u32 $0x200, v43;
	v43 =	vand.u32 $0x7F, v46;
	[tilespmem:s15+$0x4280] =	vst v45  }
0x215: {  	vm0 =	vgt.s32 v47, $0x1;
	v45 =	vsub.f32 v49, v39;
	v39 =	vand.u32 $0x3C00, v44;
	v49 =	vld.idx.msk [tilespmem:v50+s3+$0x0], $0xffff  }
0x216: {  	v46 =	vnsel vm0, $0x1, v47;
	v44 =	vor.u32 v39, v43;
	v39 =	vshll.u32 v48, $0x3;
	v43 =	vld.idx.msk [tilespmem:v41+s3+$0x0], $0xffff  }
0x217: {  	v48 =	vand.u32 $0x7F, v48;
	v41 =	vmin.u32 v46, $0x7FF;
	v39 =	vand.u32 $0x7FFFFC00, v39  }
0x218: {  	v47 =	vshll.u32 v41, $0x3;
	v46 =	vld.idx.msk [tilespmem:v40+s3+$0x0], $0xffff;
	v40 =	vand.u32 $0x7F, v41;
	v41 =	vadd.s32 $0xFFFFFFFF, v41  }
.Ltmp4:
0x219: {  	v47 =	vand.u32 $0x3C00, v47;
	v50 =	vld.idx.msk [tilespmem:v57+s3+$0x0], $0xffff;
	v57 =	vand.u32 $0x7F, v41;
	v41 =	vshll.u32 v41, $0x3;
	(pc) =	sbr.rel @p1 .LBB2_7-.Ltmp4, $4  }
0x21a: {  	v39 =	vor.u32 v39, v48;
	v47 =	vor.u32 v47, v40;
	v40 =	vand.u32 $0x7FFFFC00, v41  }
0x21b: {  	v52 =	vadd.f32 v55, v52;
	v41 =	vadd.f32 $-1.258291200e+07, v56;
	v48 =	vor.u32 v40, v57  }
0x21c: {  	v54 =	vand.u32 $0x7F, v54;
	v51 =	vand.u32 $0x7FFFFC00, v51;
	v49 =	vsub.f32 v49, v43  }
0x21d: {  	s29 =	sadd.s32 $0x10, s29;
	s5 =	sadd.s32 $0x10, s5;
	s22 =	sadd.s32 $0x1, s22;
	v42 =	vadd.f32 v52, v42;
	v40 =	vsub.f32 v53, v41;
	v41 =	vor.u32 v51, v54  }
0x21e: {  	v2 =	vsub.f32 v50, v46  }
0x21f: {  	v3 =	vor.u32 $0x280, v31  }
0x220: {  	v4 =	vor.u32 $0x280, v47;
	v2 =	vmul.f32 v45, v2  }
0x221: {  	s5 =	sadd.s32 $0x80, s24;
	v5 =	vor.u32 $0x280, v48  }
0x222: {  	s11 =	sand.u32 $0x70, s25;
	s13 =	sand.u32 $0x3C00, s5;
	v2 =	vadd.f32 v2, v46  }
0x223: {  	s11 =	sor.u32 s11, s13  }
0x224: {  	[tilespmem:s11+$0x4200] =	vst v2;
	v2 =	vld.idx.msk [tilespmem:v3+s3+$0x0], $0xffff  }
0x225: {  	v3 =	vld.idx.msk [tilespmem:v4+s3+$0x0], $0xffff  }
0x226: {  	v52 =	vld.idx.msk [tilespmem:v5+s3+$0x0], $0xffff;
	_ =	sdelay $0x2  }
0x227: {  	v2 =	vsub.f32 v2, v36;
	_ =	sdelay $0x1  }
0x228: {  	v53 =	vor.u32 $0x300, v29;
	v4 =	vsub.f32 v52, v3;
	v2 =	vmul.f32 v30, v2  }
0x229: {  	v7 =	vor.u32 $0x300, v28;
	v6 =	vadd.f32 v42, v21  }
0x22a: {  	v8 =	vor.u32 $0x300, v39;
	v4 =	vmul.f32 v40, v4;
	v2 =	vadd.f32 v2, v36  }
0x22b: {  	v10 =	vor.u32 $0x300, v44;
	v9 =	vadd.f32 $1.258291200e+07, v6  }
0x22c: {  	[tilespmem:s23+$0x4280] =	vst v2;
	v2 =	vadd.f32 v4, v3  }
0x22d: {  	v3 =	vand.u32 $0x7FFFFF, v9;
	v54 =	vld.idx.msk [tilespmem:v53+s3+$0x0], $0xffff  }
0x22e: {  	v3 =	vsub.s32 v34, v3;
	v55 =	vld.idx.msk [tilespmem:v7+s3+$0x0], $0xffff;
	[tilespmem:s11+$0x4280] =	vst v2  }
0x22f: {  	v11 =	vadd.f32 $-1.258291200e+07, v37;
	vm0 =	vgt.s32 v3, $0x1;
	v56 =	vld.idx.msk [tilespmem:v8+s3+$0x0], $0xffff  }
0x230: {  	v57 =	vmul.f32 v49, v22;
	v3 =	vnsel vm0, $0x1, v3;
	v10 =	vld.idx.msk [tilespmem:v10+s3+$0x0], $0xffff  }
0x231: {  	v11 =	vsub.f32 v32, v11;
	v2 =	vor.u32 v38, v35;
	v3 =	vmin.u32 v3, $0x7FF  }
0x232: {  	v2 =	vor.u32 $0x380, v2;
	v8 =	vadd.f32 v57, v43;
	v12 =	vand.u32 $0x7F, v3  }
0x233: {  	v13 =	vadd.s32 $0xFFFFFFFF, v3;
	v3 =	vshll.u32 v3, $0x3;
	v4 =	vsub.f32 v54, v55  }
0x234: {  	v14 =	vshll.u32 v13, $0x3;
	v3 =	vand.u32 $0x3C00, v3;
	v13 =	vand.u32 $0x7F, v13  }
0x235: {  	v14 =	vand.u32 $0x7FFFFC00, v14;
	v4 =	vmul.f32 v4, v33;
	v7 =	vsub.f32 v56, v10  }
0x236: {  	v15 =	vor.u32 $0x380, v41;
	v3 =	vor.u32 v3, v12;
	v13 =	vor.u32 v14, v13  }
0x237: {  	[tilespmem:s15+$0x4300] =	vst v8;
	v3 =	vor.u32 $0x380, v3;
	v4 =	vadd.f32 v4, v55;
	v58 =	vmul.f32 v7, v11  }
0x238: {  	v59 =	vld.idx.msk [tilespmem:v26+s3+$0x0], $0xffff;
	v60 =	vor.u32 $0x380, v13  }
0x239: {  	v61 =	vld.idx.msk [tilespmem:v25+s3+$0x0], $0xffff;
	[tilespmem:s23+$0x4300] =	vst v4;
	v5 =	vadd.f32 v58, v10  }
0x23a: {  	v2 =	vld.idx.msk [tilespmem:v2+s3+$0x0], $0xffff  }
0x23b: {  	v62 =	vld.idx.msk [tilespmem:v15+s3+$0x0], $0xffff;
	[tilespmem:s11+$0x4300] =	vst v5  }
0x23c: {  	v3 =	vld.idx.msk [tilespmem:v3+s3+$0x0], $0xffff  }
0x23d: {  	v5 =	vld.idx.msk [tilespmem:v60+s3+$0x0], $0xffff;
	_ =	sdelay $0x1  }
0x23e: {  	v63 =	vadd.f32 $-1.258291200e+07, v27  }
0x23f: {  	v9 =	vadd.f32 $-1.258291200e+07, v9;
	v4 =	vsub.f32 v61, v59  }
0x240: {  	v8 =	vsub.f32 v23, v63;
	v10 =	vsub.f32 v62, v2  }
0x241: {  	s0 =	sand.u32 $0x7, s0;
	v6 =	vsub.f32 v6, v9;
	v4 =	vmul.f32 v4, v24;
	v5 =	vsub.f32 v5, v3  }
0x242: {  	s25 =	sadd.s32 $0x1, s22;
	s28 =	sand.u32 $0x7, s22;
	s0 =	sshll.u32 s0, $0x4;
	v8 =	vmul.f32 v10, v8  }
0x243: {  	s0 =	sadd.s32 s0, s21;
	s13 =	sshll.u32 s28, $0x4;
	s11 =	sand.u32 $0x7, s25;
	v4 =	vadd.f32 v4, v59;
	v5 =	vmul.f32 v5, v6  }
0x244: {  	s13 =	sadd.s32 s13, s20;
	s0 =	sor.u32 $0x380, s0;
	s11 =	sshll.u32 s11, $0x4;
	v2 =	vadd.f32 v8, v2  }
0x245: {  	s29 =	sadd.s32 s11, s5;
	s11 =	sor.u32 $0x380, s13;
	[tilespmem:s0+$0x4000] =	vst v4;
	v3 =	vadd.f32 v5, v3  }
0x246: {  	s13 =	sor.u32 $0x380, s29;
	s0 =	sand.u32 $0x1FF800, s14;
	[tilespmem:s11+$0x4000] =	vst v2  }
0x247: {  	s14 =	simm.s32 $0x4200;
	s5 =	sadd.s32 s0, s9;
	[tilespmem:s13+$0x4000] =	vst v3  }
0x248: {  	[hbm4b:s5+s3] =	stream.linear.scatter [tilespmem:s14], [sflag:$0x4], $0x200, $0x38;
	[tilespmem:$0xAD00] =	vst v63  }
0x249: {  	s16 =	simm.s32 $0x4600;
	s15 =	sadd.s32 $0x80, s5  }
0x24a: {  	[hbm4b:s15+s3] =	stream.linear.scatter [tilespmem:s16], [sflag:$0x4], $0x200, $0x38;
	[tilespmem:$0xAD00] =	vst v63  }
0x24b: {  	s19 =	simm.s32 $0x4A00;
	s17 =	sadd.s32 $0x100, s5  }
0x24c: {  	[hbm4b:s17+s3] =	stream.linear.scatter [tilespmem:s19], [sflag:$0x4], $0x200, $0x38;
	[tilespmem:$0xAD00] =	vst v63  }
0x24d: {  	s21 =	simm.s32 $0x4E00;
	s20 =	sadd.s32 $0x180, s5  }
0x24e: {  	[hbm4b:s20+s3] =	stream.linear.scatter [tilespmem:s21], [sflag:$0x4], $0x200, $0x38;
	[tilespmem:$0xAD00] =	vst v63  }
0x24f: {  	s23 =	simm.s32 $0x5200;
	s22 =	sadd.s32 $0x200, s5  }
0x250: {  	[hbm4b:s22+s3] =	stream.linear.scatter [tilespmem:s23], [sflag:$0x4], $0x200, $0x38;
	[tilespmem:$0xAD00] =	vst v63  }
0x251: {  	s25 =	simm.s32 $0x5600;
	s24 =	sadd.s32 $0x280, s5  }
0x252: {  	[hbm4b:s24+s3] =	stream.linear.scatter [tilespmem:s25], [sflag:$0x4], $0x200, $0x38;
	[tilespmem:$0xAD00] =	vst v63  }
0x253: {  	s29 =	simm.s32 $0x5A00;
	s28 =	sadd.s32 $0x300, s5  }
0x254: {  	[hbm4b:s28+s3] =	stream.linear.scatter [tilespmem:s29], [sflag:$0x4], $0x200, $0x38;
	[tilespmem:$0xAD00] =	vst v63  }
0x255: {  	s14 =	sadd.s32 $0x380, s5;
	s15 =	simm.s32 $0x5E00  }
0x256: {  	[hbm4b:s14+s3] =	stream.linear.scatter [tilespmem:s15], [sflag:$0x4], $0x200, $0x38;
	[tilespmem:$0xAD00] =	vst v63  }
0x257: {  	s16 =	sadd.s32 $0x400, s5;
	s17 =	simm.s32 $0x6200  }
0x258: {  	[hbm4b:s16+s3] =	stream.linear.scatter [tilespmem:s17], [sflag:$0x4], $0x200, $0x38;
	[tilespmem:$0xAD00] =	vst v63  }
0x259: {  	s19 =	sadd.s32 $0x480, s5;
	s20 =	simm.s32 $0x6600  }
0x25a: {  	[hbm4b:s19+s3] =	stream.linear.scatter [tilespmem:s20], [sflag:$0x4], $0x200, $0x38;
	[tilespmem:$0xAD00] =	vst v63  }
0x25b: {  	s21 =	sadd.s32 $0x500, s5;
	s22 =	simm.s32 $0x6A00  }
0x25c: {  	[hbm4b:s21+s3] =	stream.linear.scatter [tilespmem:s22], [sflag:$0x4], $0x200, $0x38;
	[tilespmem:$0xAD00] =	vst v63  }
0x25d: {  	s23 =	sadd.s32 $0x580, s5;
	s24 =	simm.s32 $0x6E00  }
0x25e: {  	[hbm4b:s23+s3] =	stream.linear.scatter [tilespmem:s24], [sflag:$0x4], $0x200, $0x38;
	[tilespmem:$0xAD00] =	vst v63  }
0x25f: {  	s25 =	sadd.s32 $0x600, s5  }
0x260: {  	[hbm4b:s25+s3] =	stream.linear.scatter [tilespmem:s2], [sflag:$0x4], $0x200, $0x38;
	[tilespmem:$0xAD00] =	vst v63  }
0x261: {  	s28 =	sadd.s32 $0x680, s5  }
0x262: {  	[hbm4b:s28+s3] =	stream.linear.scatter [tilespmem:s7], [sflag:$0x4], $0x200, $0x38;
	[tilespmem:$0xAD00] =	vst v63  }
.Ltmp5:
0x263: {  	_ = 	snop;
	(pc) =	sbr.rel @p0 .LBB2_10-.Ltmp5, $4  }
0x264: {  	s29 =	sadd.s32 $0x700, s5  }
0x265: {  	[hbm4b:s29+s3] =	stream.linear.scatter [tilespmem:s6], [sflag:$0x4], $0x200, $0x38;
	[tilespmem:$0xAD00] =	vst v63  }
0x266: {  	s5 =	sadd.s32 $0x780, s5  }
0x267: {  	[hbm4b:s5+s3] =	stream.linear.scatter [tilespmem:s30], [sflag:$0x4], $0x200, $0x38;
	[tilespmem:$0xAD00] =	vst v63  }
0x268: {  	s0 =	sadd.s32 s0, s10;
	s5 =	simm.s32 $0x200  }
0x269: {  	[tilespmem:s5], [sflag:$0x2] =	stream.linear.gather [hbm4b:s0+s3], $0x200, $0x38;
	[tilespmem:$0xAD00] =	vst v63  }
0x26a: {  	s11 =	simm.s32 $0x600;
	s14 =	sadd.s32 $0x80, s0  }
0x26b: {  	[tilespmem:s11], [sflag:$0x2] =	stream.linear.gather [hbm4b:s14+s3], $0x200, $0x38;
	[tilespmem:$0xAD00] =	vst v63  }
0x26c: {  	s16 =	simm.s32 $0xA00;
	s15 =	sadd.s32 $0x100, s0  }
0x26d: {  	[tilespmem:s16], [sflag:$0x2] =	stream.linear.gather [hbm4b:s15+s3], $0x200, $0x38;
	[tilespmem:$0xAD00] =	vst v63  }
0x26e: {  	s19 =	simm.s32 $0xE00;
	s17 =	sadd.s32 $0x180, s0  }
0x26f: {  	[tilespmem:s19], [sflag:$0x2] =	stream.linear.gather [hbm4b:s17+s3], $0x200, $0x38;
	[tilespmem:$0xAD00] =	vst v63  }
0x270: {  	s21 =	simm.s32 $0x1200;
	s20 =	sadd.s32 $0x200, s0  }
0x271: {  	[tilespmem:s21], [sflag:$0x2] =	stream.linear.gather [hbm4b:s20+s3], $0x200, $0x38;
	[tilespmem:$0xAD00] =	vst v63  }
0x272: {  	s23 =	simm.s32 $0x1600;
	s22 =	sadd.s32 $0x280, s0  }
0x273: {  	[tilespmem:s23], [sflag:$0x2] =	stream.linear.gather [hbm4b:s22+s3], $0x200, $0x38;
	[tilespmem:$0xAD00] =	vst v63  }
0x274: {  	s25 =	simm.s32 $0x1A00;
	s24 =	sadd.s32 $0x300, s0  }
0x275: {  	[tilespmem:s25], [sflag:$0x2] =	stream.linear.gather [hbm4b:s24+s3], $0x200, $0x38;
	[tilespmem:$0xAD00] =	vst v63  }
0x276: {  	s29 =	simm.s32 $0x1E00;
	s28 =	sadd.s32 $0x380, s0  }
0x277: {  	[tilespmem:s29], [sflag:$0x2] =	stream.linear.gather [hbm4b:s28+s3], $0x200, $0x38;
	[tilespmem:$0xAD00] =	vst v63  }
0x278: {  	s13 =	simm.s32 $0x2200;
	s11 =	sadd.s32 $0x400, s0  }
0x279: {  	[tilespmem:s13], [sflag:$0x2] =	stream.linear.gather [hbm4b:s11+s3], $0x200, $0x38;
	[tilespmem:$0xAD00] =	vst v63  }
0x27a: {  	s14 =	sadd.s32 $0x480, s0;
	s15 =	simm.s32 $0x2600  }
0x27b: {  	[tilespmem:s15], [sflag:$0x2] =	stream.linear.gather [hbm4b:s14+s3], $0x200, $0x38;
	[tilespmem:$0xAD00] =	vst v63  }
0x27c: {  	s16 =	sadd.s32 $0x500, s0;
	s17 =	simm.s32 $0x2A00  }
0x27d: {  	[tilespmem:s17], [sflag:$0x2] =	stream.linear.gather [hbm4b:s16+s3], $0x200, $0x38;
	[tilespmem:$0xAD00] =	vst v63  }
0x27e: {  	s19 =	sadd.s32 $0x580, s0;
	s20 =	simm.s32 $0x2E00  }
0x27f: {  	[tilespmem:s20], [sflag:$0x2] =	stream.linear.gather [hbm4b:s19+s3], $0x200, $0x38;
	[tilespmem:$0xAD00] =	vst v63  }
0x280: {  	s21 =	sadd.s32 $0x600, s0;
	s22 =	simm.s32 $0x3200  }
0x281: {  	[tilespmem:s22], [sflag:$0x2] =	stream.linear.gather [hbm4b:s21+s3], $0x200, $0x38;
	[tilespmem:$0xAD00] =	vst v63  }
0x282: {  	s23 =	sadd.s32 $0x680, s0;
	s24 =	simm.s32 $0x3600  }
0x283: {  	[tilespmem:s24], [sflag:$0x2] =	stream.linear.gather [hbm4b:s23+s3], $0x200, $0x38;
	[tilespmem:$0xAD00] =	vst v63  }
.Ltmp6:
0x284: {  	_ = 	snop;
	(pc) =	sbr.rel .LBB2_4-.Ltmp6, $4  }
0x285: {  	s25 =	sadd.s32 $0x700, s0;
	s28 =	simm.s32 $0x3A00  }
0x286: {  	[tilespmem:s28], [sflag:$0x2] =	stream.linear.gather [hbm4b:s25+s3], $0x200, $0x38;
	[tilespmem:$0xAD00] =	vst v63  }
0x287: {  	s1 =	sadd.s32 $0x1, s1;
	s0 =	sadd.s32 $0x780, s0;
	s29 =	simm.s32 $0x3E00  }
0x288: {  	[tilespmem:s29], [sflag:$0x2] =	stream.linear.gather [hbm4b:s0+s3], $0x200, $0x38;
	[tilespmem:$0xAD00] =	vst v63  }
.LBB2_11:
0x289: {  	_ =	sfence.sel $0x180000  }
0x28a: {  	[bflag:$0x0] =	sbarrier.arrive $0xFFFF  }
0x28b: {  	_ =	strace $0x90000047  }
0x28c: {  	s0 =	stileid.u32;
	[bflag:$0x2] =	sbarrier.arrive $0xFFFF  }
0x28d: {  	p0 =	sne.s32 s0, $0x0;
	s0 =	rddreg [dreg:$0x3]  }
0x28e: {  	s0 =	sadd.s32 @!p0 $0x100000, s0  }
0x28f: {  	[sflag:s0] =	ssyncadd.tile.s32 @!p0 $0x1;
	_ =	shalt  }
.Lfunc_end2:
_tile_overlayer_lowered:
.L_overlay_start_2:
0x290: {  	(tag) =	ssettag $0x2  }
0x291: {  	s0 =	rddreg [dreg:$0x0];
	s2 =	stileid.u32  }
0x292: {  	s1 =	rddreg [dreg:$0x1];
	p0 =	sne.s32 s2, $0x0  }
0x293: {  	s3 =	rddreg [dreg:$0x2];
	[bflag:$0x3] =	sbarrier.arrive $0xFFFF;
	s2 =	simm.s32 @!p0 $0x1C05  }
0x294: {  	[timem:s3], [sflag:s2] =	dma.local @!p0 [hbm:s0], s1  }
0x295: {  	s0 =	simm.s32 @!p0 $0x5  }
0x296: {  	_ =	swait.ge @!p0 [sflag:s0], s1  }
0x297: {  	s1 =	ssub.s32 @!p0 $0x0, s1;
	[sflag:s0] =	ssyncset.done @!p0 $0x0  }
0x298: {  	[sflag:s0] =	ssyncadd.s32 @!p0 s1  }
0x299: {  	[bflag:$0x3] =	sbarrier.arrive $0xFFFF  }
0x29a: {  	_ =	shalt  }

</sc_bundles>
